<compile_context>
chip_gen: v7x
topology: tpu7x:2x2x1
jax: 0.10.2.dev20260603
libtpu: 0.0.44.dev20260713+nightly
codegen_flags: <defaults>
</compile_context>

<pallas_src>
import functools
import jax
import jax.numpy as jnp
from jax import lax
from jax.experimental import pallas as pl
from jax.experimental.pallas import tpu as pltpu
from jax.experimental.pallas import tpu_sc as plsc

B = 64
H = 128
STEPS = 32
N = B * 81
E = B * 1620

NC = 2
NS = 16
NW = NC * NS
EPW = E // NW
K = 120
NCHUNK = EPW // K
RPT = 328
NPAD = RPT * NS

BLK = 648
GRID = N // BLK



def _zero_rows(ref, nrows, width):
    zero16 = jnp.zeros((16,), jnp.float32)

    def zb(i, carry):
        for j in range(width // 16):
            ref[i, pl.ds(j * 16, 16)] = zero16
        return carry
    lax.fori_loop(0, nrows, zb, 0)


def _sc_edge_body(a_hbm, c_hbm, src_hbm, dst_hbm, r_out,
                  si_v, di_v, a_v, c_v, z_v, acc_sh, sem_a, sem_c):
    core = lax.axis_index("c")
    sid = lax.axis_index("s")

    _zero_rows(z_v, RPT, H)

    base_r = sid * RPT
    pltpu.sync_copy(z_v, acc_sh.at[pl.ds(base_r, RPT)])
    plsc.subcore_barrier()

    wid = core * NS + sid
    ebase = wid * EPW

    def chunk(j, carry):
        b = ebase + j * K
        pltpu.sync_copy(src_hbm.at[pl.ds(b, K)], si_v)
        pltpu.sync_copy(dst_hbm.at[pl.ds(b, K)], di_v)
        cp_a = pltpu.async_copy(a_hbm.at[si_v], a_v, sem_a)
        cp_c = pltpu.async_copy(c_hbm.at[di_v], c_v, sem_c)
        cp_a.wait()
        cp_c.wait()

        def row(k, inner):
            for jj in range(H // 16):
                s = pl.ds(jj * 16, 16)
                a_v[k, s] = jnp.maximum(a_v[k, s] + c_v[k, s], 0.0)
            return inner
        lax.fori_loop(0, K, row, 0)

        pltpu.sync_copy(a_v, acc_sh.at[di_v], add=True)
        return carry
    lax.fori_loop(0, NCHUNK, chunk, 0)

    plsc.subcore_barrier()
    pltpu.sync_copy(acc_sh.at[pl.ds(base_r, RPT)],
                    r_out.at[core, pl.ds(base_r, RPT)])


def _make_sc_edge():
    mesh = plsc.VectorSubcoreMesh(core_axis_name="c", subcore_axis_name="s")
    return functools.partial(
        pl.kernel, mesh=mesh,
        out_type=jax.ShapeDtypeStruct((NC, NPAD, H), jnp.float32),
        scratch_types=[
            pltpu.VMEM((K,), jnp.int32),
            pltpu.VMEM((K,), jnp.int32),
            pltpu.VMEM((K, H), jnp.float32),
            pltpu.VMEM((K, H), jnp.float32),
            pltpu.VMEM((RPT, H), jnp.float32),
            pltpu.VMEM_SHARED((NPAD, H), jnp.float32),
            pltpu.SemaphoreType.DMA,
            pltpu.SemaphoreType.DMA,
        ],
    )(_sc_edge_body)


def _sc_cnt_body(dst_hbm, c_out, di_v, one_v, z_v, acc_sh):
    core = lax.axis_index("c")
    sid = lax.axis_index("s")

    _zero_rows(z_v, RPT, H)
    _zero_rows(one_v, K, H)
    lane = lax.iota(jnp.int32, 16)
    onev = jnp.where(lane == 0, 1.0, 0.0).astype(jnp.float32)

    def so(i, carry):
        one_v[i, pl.ds(0, 16)] = onev
        return carry
    lax.fori_loop(0, K, so, 0)

    base_r = sid * RPT
    pltpu.sync_copy(z_v, acc_sh.at[pl.ds(base_r, RPT)])
    plsc.subcore_barrier()

    wid = core * NS + sid
    ebase = wid * EPW

    def chunk(j, carry):
        b = ebase + j * K
        pltpu.sync_copy(dst_hbm.at[pl.ds(b, K)], di_v)
        pltpu.sync_copy(one_v, acc_sh.at[di_v], add=True)
        return carry
    lax.fori_loop(0, NCHUNK, chunk, 0)

    plsc.subcore_barrier()
    pltpu.sync_copy(acc_sh.at[pl.ds(base_r, RPT)],
                    c_out.at[core, pl.ds(base_r, RPT)])


def _make_sc_cnt():
    mesh = plsc.VectorSubcoreMesh(core_axis_name="c", subcore_axis_name="s")
    return functools.partial(
        pl.kernel, mesh=mesh,
        out_type=jax.ShapeDtypeStruct((NC, NPAD, H), jnp.float32),
        scratch_types=[
            pltpu.VMEM((K,), jnp.int32),
            pltpu.VMEM((K, H), jnp.float32),
            pltpu.VMEM((RPT, H), jnp.float32),
            pltpu.VMEM_SHARED((NPAD, H), jnp.float32),
        ],
    )(_sc_cnt_body)



def _wcomb_body(wm2_ref, wiht_ref, bm2_ref, out_ref, brow_ref):
    out_ref[...] = jnp.dot(wm2_ref[...], wiht_ref[...],
                           preferred_element_type=jnp.float32)
    brow_ref[...] = jnp.dot(bm2_ref[...], wiht_ref[...],
                            preferred_element_type=jnp.float32)


def _wcomb(wm2, wiht, bm2):
    return pl.pallas_call(
        _wcomb_body,
        out_shape=[
            jax.ShapeDtypeStruct((H, 3 * H), jnp.float32),
            jax.ShapeDtypeStruct((1, 3 * H), jnp.float32),
        ],
    )(wm2, wiht, bm2)


def _bias_body(c0_ref, c1_ref, brow_ref, bih_ref, out_ref):
    cnt = c0_ref[:, :1] + c1_ref[:, :1]
    out_ref[...] = cnt * brow_ref[...] + bih_ref[...]


def _bias(c0, c1, brow, bih):
    full = lambda i: (0, 0)
    rows = lambda i: (i, 0)
    return pl.pallas_call(
        _bias_body,
        grid=(GRID,),
        in_specs=[
            pl.BlockSpec((BLK, H), rows),
            pl.BlockSpec((BLK, H), rows),
            pl.BlockSpec((1, 3 * H), full),
            pl.BlockSpec((1, 3 * H), full),
        ],
        out_specs=pl.BlockSpec((BLK, 3 * H), rows),
        out_shape=jax.ShapeDtypeStruct((N, 3 * H), jnp.float32),
    )(c0, c1, brow, bih)


def _init_body(x_ref, win_ref, bin_ref, g_ref, b_ref, pos_ref,
               wa_ref, wc_ref, bm1_ref,
               h_ref, a_ref, c_ref):
    t = jnp.dot(x_ref[...], win_ref[...], preferred_element_type=jnp.float32)
    t = t + bin_ref[...]
    mu = jnp.mean(t, axis=-1, keepdims=True)
    var = jnp.mean((t - mu) ** 2, axis=-1, keepdims=True)
    h = (t - mu) / jnp.sqrt(var + 1e-5) * g_ref[...] + b_ref[...]
    h = h + pos_ref[...]
    h_ref[...] = h
    a_ref[...] = jnp.dot(h, wa_ref[...], preferred_element_type=jnp.float32) + bm1_ref[...]
    c_ref[...] = jnp.dot(h, wc_ref[...], preferred_element_type=jnp.float32)


def _init(x16, win16, b_in, g_in, bb_in, posf, wa, wc, bm1):
    full = lambda i: (0, 0)
    rows = lambda i: (i, 0)
    return pl.pallas_call(
        _init_body,
        grid=(GRID,),
        in_specs=[
            pl.BlockSpec((BLK, 16), rows),
            pl.BlockSpec((16, H), full),
            pl.BlockSpec((1, H), full),
            pl.BlockSpec((1, H), full),
            pl.BlockSpec((1, H), full),
            pl.BlockSpec((BLK, H), rows),
            pl.BlockSpec((H, H), full),
            pl.BlockSpec((H, H), full),
            pl.BlockSpec((1, H), full),
        ],
        out_specs=[
            pl.BlockSpec((BLK, H), rows),
            pl.BlockSpec((BLK, H), rows),
            pl.BlockSpec((BLK, H), rows),
        ],
        out_shape=[
            jax.ShapeDtypeStruct((N, H), jnp.float32),
            jax.ShapeDtypeStruct((N, H), jnp.float32),
            jax.ShapeDtypeStruct((N, H), jnp.float32),
        ],
    )(x16, win16, b_in, g_in, bb_in, posf, wa, wc, bm1)


def _step_body(r0_ref, r1_ref, h_ref, wcomb_ref, whht_ref, bn_ref, bhh_ref,
               g_ref, b_ref, wout_ref, bout_ref, wa_ref, wc_ref, bm1_ref,
               h2_ref, lg_ref, a_ref, c_ref):
    h = h_ref[...]
    r = r0_ref[...] + r1_ref[...]
    gi = jnp.dot(r, wcomb_ref[...], preferred_element_type=jnp.float32) + bn_ref[...]
    gh = jnp.dot(h, whht_ref[...], preferred_element_type=jnp.float32) + bhh_ref[...]
    i_r = gi[:, :H]; i_z = gi[:, H:2 * H]; i_n = gi[:, 2 * H:]
    h_r = gh[:, :H]; h_z = gh[:, H:2 * H]; h_n = gh[:, 2 * H:]
    rr = jax.nn.sigmoid(i_r + h_r)
    z = jax.nn.sigmoid(i_z + h_z)
    n = jnp.tanh(i_n + rr * h_n)
    hn = (1.0 - z) * n + z * h
    mu = jnp.mean(hn, axis=-1, keepdims=True)
    var = jnp.mean((hn - mu) ** 2, axis=-1, keepdims=True)
    h2 = (hn - mu) / jnp.sqrt(var + 1e-5) * g_ref[...] + b_ref[...]
    h2_ref[...] = h2
    lg_ref[...] = jnp.dot(h2, wout_ref[...], preferred_element_type=jnp.float32) + bout_ref[...]
    a_ref[...] = jnp.dot(h2, wa_ref[...], preferred_element_type=jnp.float32) + bm1_ref[...]
    c_ref[...] = jnp.dot(h2, wc_ref[...], preferred_element_type=jnp.float32)


def _step(r0, r1, h, wcomb, whht, bias_node, bhh, g, b, wout16, bout16, wa, wc, bm1):
    full = lambda i: (0, 0)
    rows = lambda i: (i, 0)
    return pl.pallas_call(
        _step_body,
        grid=(GRID,),
        in_specs=[
            pl.BlockSpec((BLK, H), rows),
            pl.BlockSpec((BLK, H), rows),
            pl.BlockSpec((BLK, H), rows),
            pl.BlockSpec((H, 3 * H), full),
            pl.BlockSpec((H, 3 * H), full),
            pl.BlockSpec((BLK, 3 * H), rows),
            pl.BlockSpec((1, 3 * H), full),
            pl.BlockSpec((1, H), full),
            pl.BlockSpec((1, H), full),
            pl.BlockSpec((H, 16), full),
            pl.BlockSpec((1, 16), full),
            pl.BlockSpec((H, H), full),
            pl.BlockSpec((H, H), full),
            pl.BlockSpec((1, H), full),
        ],
        out_specs=[
            pl.BlockSpec((BLK, H), rows),
            pl.BlockSpec((BLK, 16), rows),
            pl.BlockSpec((BLK, H), rows),
            pl.BlockSpec((BLK, H), rows),
        ],
        out_shape=[
            jax.ShapeDtypeStruct((N, H), jnp.float32),
            jax.ShapeDtypeStruct((N, 16), jnp.float32),
            jax.ShapeDtypeStruct((N, H), jnp.float32),
            jax.ShapeDtypeStruct((N, H), jnp.float32),
        ],
    )(r0, r1, h, wcomb, whht, bias_node, bhh, g, b, wout16, bout16, wa, wc, bm1)



def kernel(x, edge_index, W_in, b_in, ln_in_g, ln_in_b, pos, W_m1, b_m1,
           W_m2, b_m2, W_ih, b_ih, W_hh, b_hh, ln_g, ln_b, W_out, b_out):
    src = edge_index[0].astype(jnp.int32)
    dst = edge_index[1].astype(jnp.int32)

    x16 = jnp.pad(x.reshape(N, 10), ((0, 0), (0, 6)))
    win16 = jnp.pad(W_in, ((0, 6), (0, 0)))
    posf = jnp.tile(pos, (B, 1))
    wa = W_m1[:H]
    wc = W_m1[H:]
    wiht = W_ih.T
    whht = W_hh.T
    wout16 = jnp.pad(W_out, ((0, 0), (0, 7)))
    bout16 = jnp.pad(b_out, (0, 7)).reshape(1, 16)
    r1 = lambda v: v.reshape(1, -1)

    wcomb, brow = _wcomb(W_m2, wiht, b_m2.reshape(1, H))
    h0, a0, c0 = _init(x16, win16, r1(b_in), r1(ln_in_g), r1(ln_in_b), posf,
                       wa, wc, r1(b_m1))

    sc_edge = _make_sc_edge()
    cnt = _make_sc_cnt()(dst)
    bias_node = _bias(cnt[0, :N], cnt[1, :N], brow, r1(b_ih))
    bhh = r1(b_hh)
    g = r1(ln_g)
    b = r1(ln_b)

    def step(carry, _):
        h, a, c = carry
        r = sc_edge(a, c, src, dst)
        h2, lg, a2, c2 = _step(r[0, :N], r[1, :N], h, wcomb, whht, bias_node,
                               bhh, g, b, wout16, bout16, wa, wc, r1(b_m1))
        return (h2, a2, c2), lg

    (_, _, _), lgs = lax.scan(step, (h0, a0, c0), None, length=STEPS)
    return lgs[:, :, :9].reshape(STEPS, B, 81, 9)

# --- scband reference (transcript-rebuilt; emitter-appended) ---
"""Pipeline reference for scband-sudoku-rrn-80453327388759 (READ-ONLY COPY).

The authoritative reference and input builder live on the scoring server;
editing this copy changes nothing except your own understanding.
"""

import jax, jax.numpy as jnp
import numpy as np

B = 64
H = 128
M = 128
STEPS = 32
N = B * 81
E = B * 1620

def _ln(x, g, b):
    mu = jnp.mean(x, axis=-1, keepdims=True)
    var = jnp.mean((x - mu) ** 2, axis=-1, keepdims=True)
    return (x - mu) / jnp.sqrt(var + 1e-5) * g + b

def setup_inputs(seed: int = 0):
    key = jax.random.key(seed)
    ks = jax.random.split(key, 20)
    def rn(k, shape, scale):
        return jax.random.normal(k, shape, jnp.float32) * scale
    inp = {}
    inp["x"] = jax.random.normal(ks[0], (B, 81, 10), jnp.float32)
    inp["edge_index"] = jax.random.randint(ks[1], (2, E), 0, N)
    inp["W_in"] = rn(ks[2], (10, H), 10 ** -0.5)
    inp["b_in"] = jnp.zeros((H,), jnp.float32)
    inp["ln_in_g"] = jnp.ones((H,), jnp.float32)
    inp["ln_in_b"] = jnp.zeros((H,), jnp.float32)
    inp["pos"] = rn(ks[3], (81, H), 0.01)
    inp["W_m1"] = rn(ks[4], (2 * H, M), (2 * H) ** -0.5)
    inp["b_m1"] = jnp.zeros((M,), jnp.float32)
    inp["W_m2"] = rn(ks[5], (M, M), M ** -0.5)
    inp["b_m2"] = jnp.zeros((M,), jnp.float32)
    inp["W_ih"] = rn(ks[6], (3 * H, M), M ** -0.5)
    inp["b_ih"] = jnp.zeros((3 * H,), jnp.float32)
    inp["W_hh"] = rn(ks[7], (3 * H, H), H ** -0.5)
    inp["b_hh"] = jnp.zeros((3 * H,), jnp.float32)
    inp["ln_g"] = jnp.ones((H,), jnp.float32)
    inp["ln_b"] = jnp.zeros((H,), jnp.float32)
    inp["W_out"] = rn(ks[8], (H, 9), H ** -0.5)
    inp["b_out"] = jnp.zeros((9,), jnp.float32)
    return inp

def _forward(x, W_in, b_in, ln_in_g, ln_in_b, pos, W_m1, b_m1, W_m2, b_m2, W_ih, b_ih, W_hh, b_hh, ln_g, ln_b, W_out, b_out, edge_index):
    h = _ln(x @ W_in + b_in, ln_in_g, ln_in_b) + pos[None]
    h = h.reshape(N, H)
    src = edge_index[0]
    dst = edge_index[1]
    outs = []
    for _ in range(STEPS):
        mi = jnp.concatenate([h[src], h[dst]], axis=-1)
        m = jnp.maximum(mi @ W_m1 + b_m1, 0.0) @ W_m2 + b_m2
        agg = jnp.zeros((N, M), jnp.float32).at[dst].add(m)
        gi = agg @ W_ih.T + b_ih
        gh = h @ W_hh.T + b_hh
        i_r, i_z, i_n = jnp.split(gi, 3, axis=-1)
        h_r, h_z, h_n = jnp.split(gh, 3, axis=-1)
        r = jax.nn.sigmoid(i_r + h_r)
        z = jax.nn.sigmoid(i_z + h_z)
        n = jnp.tanh(i_n + r * h_n)
        h = (1.0 - z) * n + z * h
        h = _ln(h, ln_g, ln_b)
        outs.append((h @ W_out + b_out).reshape(B, 81, 9))
    return jnp.stack(outs)

def reference(x, edge_index, W_in, b_in, ln_in_g, ln_in_b, pos, W_m1, b_m1, W_m2, b_m2, W_ih, b_ih, W_hh, b_hh, ln_g, ln_b, W_out, b_out):
    return _forward(x, W_in, b_in, ln_in_g, ln_in_b, pos, W_m1, b_m1, W_m2, b_m2, W_ih, b_ih, W_hh, b_hh, ln_g, ln_b, W_out, b_out, edge_index)

if __name__ == "__main__":
    import jax
    _d = setup_inputs()
    print(jax.jit(kernel)(*tuple(_d.values())))

</pallas_src>

<mosaic_0001>
#map = affine_map<(d0, d1) -> (0)>
#map1 = affine_map<(d0, d1) -> (0, 0, 0)>
module attributes {stable_mosaic.version = 14 : i64} {
  func.func @_sc_cnt_body(%arg0: i32, %arg1: i32, %arg2: memref<103680xi32, #tpu.memory_space<hbm>>, %arg3: memref<2x5248x128xf32, #tpu.memory_space<hbm>>, %arg4: memref<120xi32, #tpu.memory_space<vmem>>, %arg5: memref<120x128xf32, #tpu.memory_space<vmem>>, %arg6: memref<328x128xf32, #tpu.memory_space<vmem>>, %arg7: memref<5248x128xf32, #tpu.memory_space<vmem_shared>>) attributes {dimension_semantics = [#tpu.dimension_semantics<core_parallel>, #tpu.dimension_semantics<subcore_parallel>], iteration_bounds = array<i64: 2, 16>, scalar_prefetch = 0 : i64, scratch_operands = 4 : i64, tpu.core_type = #tpu.core_type<sc_vector_subcore>, window_params = [{transform_indices = #map}, {transform_indices = #map1}]} {
    %broadcast_in_dim3A = arith.constant 0.000000e+00 : f32
    %broadcast_in_dim3A_0 = vector.broadcast %broadcast_in_dim3A : f32 to vector<16xf32>
    %scan3A = arith.constant 0 : i32
    %scan3A_1 = arith.constant 0 : i32
    %scan3A_2 = arith.constant 328 : i32
    %scan3A_3 = arith.addi %scan3A_1, %scan3A_2 : i32
    %scan3A_4 = arith.constant 1 : i32
    scf.for %scan3A_37 = %scan3A_1 to %scan3A_3 step %scan3A_4  : i32 {
      %swap3A = arith.index_cast %scan3A_37 : i32 to index
      %swap3A_38 = arith.constant 0 : index
      %swap3A_39 = tpu.vector_load %arg6[%swap3A, %swap3A_38] {strides = array<i32>} : memref<328x128xf32, #tpu.memory_space<vmem>>, vector<1x16xf32>,
      %swap3A_40 = vector.shape_cast %swap3A_39 : vector<1x16xf32> to vector<16xf32>
      %swap3A_41 = vector.shape_cast %broadcast_in_dim3A_0 : vector<16xf32> to vector<1x16xf32>
      tpu.vector_store %arg6[%swap3A, %swap3A_38], %swap3A_41 {strides = array<i32>} : memref<328x128xf32, #tpu.memory_space<vmem>>, vector<1x16xf32>,
      %swap3A_42 = arith.index_cast %scan3A_37 : i32 to index
      %swap3A_43 = arith.constant 16 : index
      %swap3A_44 = tpu.vector_load %arg6[%swap3A_42, %swap3A_43] {strides = array<i32>} : memref<328x128xf32, #tpu.memory_space<vmem>>, vector<1x16xf32>,
      %swap3A_45 = vector.shape_cast %swap3A_44 : vector<1x16xf32> to vector<16xf32>
      %swap3A_46 = vector.shape_cast %broadcast_in_dim3A_0 : vector<16xf32> to vector<1x16xf32>
      tpu.vector_store %arg6[%swap3A_42, %swap3A_43], %swap3A_46 {strides = array<i32>} : memref<328x128xf32, #tpu.memory_space<vmem>>, vector<1x16xf32>,
      %swap3A_47 = arith.index_cast %scan3A_37 : i32 to index
      %swap3A_48 = arith.constant 32 : index
      %swap3A_49 = tpu.vector_load %arg6[%swap3A_47, %swap3A_48] {strides = array<i32>} : memref<328x128xf32, #tpu.memory_space<vmem>>, vector<1x16xf32>,
      %swap3A_50 = vector.shape_cast %swap3A_49 : vector<1x16xf32> to vector<16xf32>
      %swap3A_51 = vector.shape_cast %broadcast_in_dim3A_0 : vector<16xf32> to vector<1x16xf32>
      tpu.vector_store %arg6[%swap3A_47, %swap3A_48], %swap3A_51 {strides = array<i32>} : memref<328x128xf32, #tpu.memory_space<vmem>>, vector<1x16xf32>,
      %swap3A_52 = arith.index_cast %scan3A_37 : i32 to index
      %swap3A_53 = arith.constant 48 : index
      %swap3A_54 = tpu.vector_load %arg6[%swap3A_52, %swap3A_53] {strides = array<i32>} : memref<328x128xf32, #tpu.memory_space<vmem>>, vector<1x16xf32>,
      %swap3A_55 = vector.shape_cast %swap3A_54 : vector<1x16xf32> to vector<16xf32>
      %swap3A_56 = vector.shape_cast %broadcast_in_dim3A_0 : vector<16xf32> to vector<1x16xf32>
      tpu.vector_store %arg6[%swap3A_52, %swap3A_53], %swap3A_56 {strides = array<i32>} : memref<328x128xf32, #tpu.memory_space<vmem>>, vector<1x16xf32>,
      %swap3A_57 = arith.index_cast %scan3A_37 : i32 to index
      %swap3A_58 = arith.constant 64 : index
      %swap3A_59 = tpu.vector_load %arg6[%swap3A_57, %swap3A_58] {strides = array<i32>} : memref<328x128xf32, #tpu.memory_space<vmem>>, vector<1x16xf32>,
      %swap3A_60 = vector.shape_cast %swap3A_59 : vector<1x16xf32> to vector<16xf32>
      %swap3A_61 = vector.shape_cast %broadcast_in_dim3A_0 : vector<16xf32> to vector<1x16xf32>
      tpu.vector_store %arg6[%swap3A_57, %swap3A_58], %swap3A_61 {strides = array<i32>} : memref<328x128xf32, #tpu.memory_space<vmem>>, vector<1x16xf32>,
      %swap3A_62 = arith.index_cast %scan3A_37 : i32 to index
      %swap3A_63 = arith.constant 80 : index
      %swap3A_64 = tpu.vector_load %arg6[%swap3A_62, %swap3A_63] {strides = array<i32>} : memref<328x128xf32, #tpu.memory_space<vmem>>, vector<1x16xf32>,
      %swap3A_65 = vector.shape_cast %swap3A_64 : vector<1x16xf32> to vector<16xf32>
      %swap3A_66 = vector.shape_cast %broadcast_in_dim3A_0 : vector<16xf32> to vector<1x16xf32>
      tpu.vector_store %arg6[%swap3A_62, %swap3A_63], %swap3A_66 {strides = array<i32>} : memref<328x128xf32, #tpu.memory_space<vmem>>, vector<1x16xf32>,
      %swap3A_67 = arith.index_cast %scan3A_37 : i32 to index
      %swap3A_68 = arith.constant 96 : index
      %swap3A_69 = tpu.vector_load %arg6[%swap3A_67, %swap3A_68] {strides = array<i32>} : memref<328x128xf32, #tpu.memory_space<vmem>>, vector<1x16xf32>,
      %swap3A_70 = vector.shape_cast %swap3A_69 : vector<1x16xf32> to vector<16xf32>
      %swap3A_71 = vector.shape_cast %broadcast_in_dim3A_0 : vector<16xf32> to vector<1x16xf32>
      tpu.vector_store %arg6[%swap3A_67, %swap3A_68], %swap3A_71 {strides = array<i32>} : memref<328x128xf32, #tpu.memory_space<vmem>>, vector<1x16xf32>,
      %swap3A_72 = arith.index_cast %scan3A_37 : i32 to index
      %swap3A_73 = arith.constant 112 : index
      %swap3A_74 = tpu.vector_load %arg6[%swap3A_72, %swap3A_73] {strides = array<i32>} : memref<328x128xf32, #tpu.memory_space<vmem>>, vector<1x16xf32>,
      %swap3A_75 = vector.shape_cast %swap3A_74 : vector<1x16xf32> to vector<16xf32>
      %swap3A_76 = vector.shape_cast %broadcast_in_dim3A_0 : vector<16xf32> to vector<1x16xf32>
      tpu.vector_store %arg6[%swap3A_72, %swap3A_73], %swap3A_76 {strides = array<i32>} : memref<328x128xf32, #tpu.memory_space<vmem>>, vector<1x16xf32>,
    }
    %scan3A_5 = arith.constant 328 : i32
    %broadcast_in_dim3A_6 = arith.constant 0.000000e+00 : f32
    %broadcast_in_dim3A_7 = vector.broadcast %broadcast_in_dim3A_6 : f32 to vector<16xf32>
    %scan3A_8 = arith.constant 0 : i32
    %scan3A_9 = arith.constant 0 : i32
    %scan3A_10 = arith.constant 120 : i32
    %scan3A_11 = arith.addi %scan3A_9, %scan3A_10 : i32
    %scan3A_12 = arith.constant 1 : i32
    scf.for %scan3A_37 = %scan3A_9 to %scan3A_11 step %scan3A_12  : i32 {
      %swap3A = arith.index_cast %scan3A_37 : i32 to index
      %swap3A_38 = arith.constant 0 : index
      %swap3A_39 = tpu.vector_load %arg5[%swap3A, %swap3A_38] {strides = array<i32>} : memref<120x128xf32, #tpu.memory_space<vmem>>, vector<1x16xf32>,
      %swap3A_40 = vector.shape_cast %swap3A_39 : vector<1x16xf32> to vector<16xf32>
      %swap3A_41 = vector.shape_cast %broadcast_in_dim3A_7 : vector<16xf32> to vector<1x16xf32>
      tpu.vector_store %arg5[%swap3A, %swap3A_38], %swap3A_41 {strides = array<i32>} : memref<120x128xf32, #tpu.memory_space<vmem>>, vector<1x16xf32>,
      %swap3A_42 = arith.index_cast %scan3A_37 : i32 to index
      %swap3A_43 = arith.constant 16 : index
      %swap3A_44 = tpu.vector_load %arg5[%swap3A_42, %swap3A_43] {strides = array<i32>} : memref<120x128xf32, #tpu.memory_space<vmem>>, vector<1x16xf32>,
      %swap3A_45 = vector.shape_cast %swap3A_44 : vector<1x16xf32> to vector<16xf32>
      %swap3A_46 = vector.shape_cast %broadcast_in_dim3A_7 : vector<16xf32> to vector<1x16xf32>
      tpu.vector_store %arg5[%swap3A_42, %swap3A_43], %swap3A_46 {strides = array<i32>} : memref<120x128xf32, #tpu.memory_space<vmem>>, vector<1x16xf32>,
      %swap3A_47 = arith.index_cast %scan3A_37 : i32 to index
      %swap3A_48 = arith.constant 32 : index
      %swap3A_49 = tpu.vector_load %arg5[%swap3A_47, %swap3A_48] {strides = array<i32>} : memref<120x128xf32, #tpu.memory_space<vmem>>, vector<1x16xf32>,
      %swap3A_50 = vector.shape_cast %swap3A_49 : vector<1x16xf32> to vector<16xf32>
      %swap3A_51 = vector.shape_cast %broadcast_in_dim3A_7 : vector<16xf32> to vector<1x16xf32>
      tpu.vector_store %arg5[%swap3A_47, %swap3A_48], %swap3A_51 {strides = array<i32>} : memref<120x128xf32, #tpu.memory_space<vmem>>, vector<1x16xf32>,
      %swap3A_52 = arith.index_cast %scan3A_37 : i32 to index
      %swap3A_53 = arith.constant 48 : index
      %swap3A_54 = tpu.vector_load %arg5[%swap3A_52, %swap3A_53] {strides = array<i32>} : memref<120x128xf32, #tpu.memory_space<vmem>>, vector<1x16xf32>,
      %swap3A_55 = vector.shape_cast %swap3A_54 : vector<1x16xf32> to vector<16xf32>
      %swap3A_56 = vector.shape_cast %broadcast_in_dim3A_7 : vector<16xf32> to vector<1x16xf32>
      tpu.vector_store %arg5[%swap3A_52, %swap3A_53], %swap3A_56 {strides = array<i32>} : memref<120x128xf32, #tpu.memory_space<vmem>>, vector<1x16xf32>,
      %swap3A_57 = arith.index_cast %scan3A_37 : i32 to index
      %swap3A_58 = arith.constant 64 : index
      %swap3A_59 = tpu.vector_load %arg5[%swap3A_57, %swap3A_58] {strides = array<i32>} : memref<120x128xf32, #tpu.memory_space<vmem>>, vector<1x16xf32>,
      %swap3A_60 = vector.shape_cast %swap3A_59 : vector<1x16xf32> to vector<16xf32>
      %swap3A_61 = vector.shape_cast %broadcast_in_dim3A_7 : vector<16xf32> to vector<1x16xf32>
      tpu.vector_store %arg5[%swap3A_57, %swap3A_58], %swap3A_61 {strides = array<i32>} : memref<120x128xf32, #tpu.memory_space<vmem>>, vector<1x16xf32>,
      %swap3A_62 = arith.index_cast %scan3A_37 : i32 to index
      %swap3A_63 = arith.constant 80 : index
      %swap3A_64 = tpu.vector_load %arg5[%swap3A_62, %swap3A_63] {strides = array<i32>} : memref<120x128xf32, #tpu.memory_space<vmem>>, vector<1x16xf32>,
      %swap3A_65 = vector.shape_cast %swap3A_64 : vector<1x16xf32> to vector<16xf32>
      %swap3A_66 = vector.shape_cast %broadcast_in_dim3A_7 : vector<16xf32> to vector<1x16xf32>
      tpu.vector_store %arg5[%swap3A_62, %swap3A_63], %swap3A_66 {strides = array<i32>} : memref<120x128xf32, #tpu.memory_space<vmem>>, vector<1x16xf32>,
      %swap3A_67 = arith.index_cast %scan3A_37 : i32 to index
      %swap3A_68 = arith.constant 96 : index
      %swap3A_69 = tpu.vector_load %arg5[%swap3A_67, %swap3A_68] {strides = array<i32>} : memref<120x128xf32, #tpu.memory_space<vmem>>, vector<1x16xf32>,
      %swap3A_70 = vector.shape_cast %swap3A_69 : vector<1x16xf32> to vector<16xf32>
      %swap3A_71 = vector.shape_cast %broadcast_in_dim3A_7 : vector<16xf32> to vector<1x16xf32>
      tpu.vector_store %arg5[%swap3A_67, %swap3A_68], %swap3A_71 {strides = array<i32>} : memref<120x128xf32, #tpu.memory_space<vmem>>, vector<1x16xf32>,
      %swap3A_72 = arith.index_cast %scan3A_37 : i32 to index
      %swap3A_73 = arith.constant 112 : index
      %swap3A_74 = tpu.vector_load %arg5[%swap3A_72, %swap3A_73] {strides = array<i32>} : memref<120x128xf32, #tpu.memory_space<vmem>>, vector<1x16xf32>,
      %swap3A_75 = vector.shape_cast %swap3A_74 : vector<1x16xf32> to vector<16xf32>
      %swap3A_76 = vector.shape_cast %broadcast_in_dim3A_7 : vector<16xf32> to vector<1x16xf32>
      tpu.vector_store %arg5[%swap3A_72, %swap3A_73], %swap3A_76 {strides = array<i32>} : memref<120x128xf32, #tpu.memory_space<vmem>>, vector<1x16xf32>,
    }
    %scan3A_13 = arith.constant 120 : i32
    %iota3A = tpu.iota {dimensions = array<i32: 0>} : vector<16xi32>
    %eq3A = arith.constant 0 : i32
    %eq3A_14 = vector.broadcast %eq3A : i32 to vector<16xi32>
    %eq3A_15 = arith.cmpi eq, %iota3A, %eq3A_14 : vector<16xi32>
    %jit3A = arith.constant 1.000000e+00 : f32
    %jit3A_16 = arith.constant 0.000000e+00 : f32
    %broadcast_in_dim3A_17 = vector.broadcast %jit3A : f32 to vector<16xf32>
    %broadcast_in_dim3A_18 = vector.broadcast %jit3A_16 : f32 to vector<16xf32>
    %select_n3A = arith.select %eq3A_15, %broadcast_in_dim3A_17, %broadcast_in_dim3A_18 : vector<16xi1>, vector<16xf32>
    %scan3A_19 = arith.constant 0 : i32
    %scan3A_20 = arith.constant 0 : i32
    %scan3A_21 = arith.constant 120 : i32
    %scan3A_22 = arith.addi %scan3A_20, %scan3A_21 : i32
    %scan3A_23 = arith.constant 1 : i32
    scf.for %scan3A_37 = %scan3A_20 to %scan3A_22 step %scan3A_23  : i32 {
      %swap3A = arith.index_cast %scan3A_37 : i32 to index
      %swap3A_38 = arith.constant 0 : index
      %swap3A_39 = tpu.vector_load %arg5[%swap3A, %swap3A_38] {strides = array<i32>} : memref<120x128xf32, #tpu.memory_space<vmem>>, vector<1x16xf32>,
      %swap3A_40 = vector.shape_cast %swap3A_39 : vector<1x16xf32> to vector<16xf32>
      %swap3A_41 = vector.shape_cast %select_n3A : vector<16xf32> to vector<1x16xf32>
      tpu.vector_store %arg5[%swap3A, %swap3A_38], %swap3A_41 {strides = array<i32>} : memref<120x128xf32, #tpu.memory_space<vmem>>, vector<1x16xf32>,
    }
    %scan3A_24 = arith.constant 120 : i32
    %mul3A = arith.constant 328 : i32
    %mul3A_25 = arith.muli %arg1, %mul3A : i32
    "tpu.region"() ({
      %run_scoped3A = tpu.sem_alloc : memref<!tpu.dma_semaphore, #tpu.memory_space<semaphore_mem>>
      %dma_start3A = arith.constant 0 : i32
      %dma_start3A_37 = tpu.memref_slice %arg7[%mul3A_25, %dma_start3A] : memref<5248x128xf32, #tpu.memory_space<vmem_shared>> -> memref<328x128xf32, #tpu.memory_space<vmem_shared>>
      %dma_start3A_38 = arith.constant 0 : i32
      %dma_start3A_39 = tpu.memref_slice %arg7[%mul3A_25, %dma_start3A_38] : memref<5248x128xf32, #tpu.memory_space<vmem_shared>> -> memref<328x128xf32, #tpu.memory_space<vmem_shared>>
      tpu.enqueue_dma source(%arg6 : memref<328x128xf32, #tpu.memory_space<vmem>>) target(%dma_start3A_39 : memref<328x128xf32, #tpu.memory_space<vmem_shared>>) target_semaphore(%run_scoped3A : memref<!tpu.dma_semaphore, #tpu.memory_space<semaphore_mem>>)
      %dma_wait3A = arith.constant 0 : i32
      %dma_wait3A_40 = tpu.memref_slice %arg7[%mul3A_25, %dma_wait3A] : memref<5248x128xf32, #tpu.memory_space<vmem_shared>> -> memref<328x128xf32, #tpu.memory_space<vmem_shared>>
      %dma_wait3A_41 = arith.constant 0 : i32
      %dma_wait3A_42 = tpu.memref_slice %arg7[%mul3A_25, %dma_wait3A_41] : memref<5248x128xf32, #tpu.memory_space<vmem_shared>> -> memref<328x128xf32, #tpu.memory_space<vmem_shared>>
      tpu.wait_dma2 semaphore(%run_scoped3A : memref<!tpu.dma_semaphore, #tpu.memory_space<semaphore_mem>>) src(%arg6 : memref<328x128xf32, #tpu.memory_space<vmem>>) dst(%dma_wait3A_42 : memref<328x128xf32, #tpu.memory_space<vmem_shared>>)
      tpu.yield
    }) : () -> ()
    %barrier3A = arith.constant 0 : index
    tpu.barrier barrier_id(%barrier3A)
    %mul3A_26 = arith.constant 16 : i32
    %mul3A_27 = arith.muli %arg0, %mul3A_26 : i32
    %add3A = arith.addi %mul3A_27, %arg1 : i32
    %mul3A_28 = arith.constant 3240 : i32
    %mul3A_29 = arith.muli %add3A, %mul3A_28 : i32
    %scan3A_30 = arith.constant 0 : i32
    %scan3A_31 = arith.constant 0 : i32
    %scan3A_32 = arith.constant 27 : i32
    %scan3A_33 = arith.addi %scan3A_31, %scan3A_32 : i32
    %scan3A_34 = arith.constant 1 : i32
    scf.for %scan3A_37 = %scan3A_31 to %scan3A_33 step %scan3A_34  : i32 {
      %mul3A_38 = arith.constant 120 : i32
      %mul3A_39 = arith.muli %scan3A_37, %mul3A_38 : i32
      %add3A_40 = arith.addi %mul3A_29, %mul3A_39 : i32
      "tpu.region"() ({
        %run_scoped3A = tpu.sem_alloc : memref<!tpu.dma_semaphore, #tpu.memory_space<semaphore_mem>>
        %dma_start3A = tpu.memref_slice %arg2[%add3A_40] : memref<103680xi32, #tpu.memory_space<hbm>> -> memref<120xi32, #tpu.memory_space<hbm>>
        %dma_start3A_41 = tpu.memref_slice %arg2[%add3A_40] : memref<103680xi32, #tpu.memory_space<hbm>> -> memref<120xi32, #tpu.memory_space<hbm>>
        tpu.enqueue_dma source(%dma_start3A_41 : memref<120xi32, #tpu.memory_space<hbm>>) target(%arg4 : memref<120xi32, #tpu.memory_space<vmem>>) target_semaphore(%run_scoped3A : memref<!tpu.dma_semaphore, #tpu.memory_space<semaphore_mem>>)
        %dma_wait3A = tpu.memref_slice %arg2[%add3A_40] : memref<103680xi32, #tpu.memory_space<hbm>> -> memref<120xi32, #tpu.memory_space<hbm>>
        %dma_wait3A_42 = tpu.memref_slice %arg2[%add3A_40] : memref<103680xi32, #tpu.memory_space<hbm>> -> memref<120xi32, #tpu.memory_space<hbm>>
        tpu.wait_dma2 semaphore(%run_scoped3A : memref<!tpu.dma_semaphore, #tpu.memory_space<semaphore_mem>>) src(%dma_wait3A_42 : memref<120xi32, #tpu.memory_space<hbm>>) dst(%arg4 : memref<120xi32, #tpu.memory_space<vmem>>)
        tpu.yield
      }) : () -> ()
      "tpu.region"() ({
        %run_scoped3A = tpu.sem_alloc : memref<!tpu.dma_semaphore, #tpu.memory_space<semaphore_mem>>
        %dma_start3A = arith.constant 0 : i32
        %dma_start3A_41 = arith.constant 0 : i32
        %dma_start3A_42 = tpu.memref_slice %arg7[%dma_start3A, %dma_start3A_41] : memref<5248x128xf32, #tpu.memory_space<vmem_shared>> -> memref<5248x128xf32, #tpu.memory_space<vmem_shared>>
        tpu.enqueue_indirect_dma source(%arg5 : memref<120x128xf32, #tpu.memory_space<vmem>>) target(%dma_start3A_42 : memref<5248x128xf32, #tpu.memory_space<vmem_shared>>) offsets(%arg4 : memref<120xi32, #tpu.memory_space<vmem>>) semaphore(%run_scoped3A : memref<!tpu.dma_semaphore, #tpu.memory_space<semaphore_mem>>) {add = true}
        %dma_wait3A = arith.constant 0 : i32
        %dma_wait3A_43 = arith.constant 0 : i32
        %dma_wait3A_44 = tpu.memref_slice %arg7[%dma_wait3A, %dma_wait3A_43] : memref<5248x128xf32, #tpu.memory_space<vmem_shared>> -> memref<5248x128xf32, #tpu.memory_space<vmem_shared>>
        tpu.wait_indirect_dma semaphore(%run_scoped3A : memref<!tpu.dma_semaphore, #tpu.memory_space<semaphore_mem>>) src(%arg5 : memref<120x128xf32, #tpu.memory_space<vmem>>) dst(%dma_wait3A_44 : memref<5248x128xf32, #tpu.memory_space<vmem_shared>>)
        tpu.yield
      }) : () -> ()
    }
    %scan3A_35 = arith.constant 27 : i32
    %barrier3A_36 = arith.constant 0 : index
    tpu.barrier barrier_id(%barrier3A_36)
    "tpu.region"() ({
      %run_scoped3A = tpu.sem_alloc : memref<!tpu.dma_semaphore, #tpu.memory_space<semaphore_mem>>
      %dma_start3A = arith.constant 0 : i32
      %dma_start3A_37 = tpu.memref_slice %arg3[%arg0, %mul3A_25, %dma_start3A] : memref<2x5248x128xf32, #tpu.memory_space<hbm>> -> memref<1x328x128xf32, #tpu.memory_space<hbm>>
      %dma_start3A_38 = tpu.memref_squeeze %dma_start3A_37 : memref<1x328x128xf32, #tpu.memory_space<hbm>> -> memref<328x128xf32, #tpu.memory_space<hbm>>
      %dma_start3A_39 = arith.constant 0 : i32
      %dma_start3A_40 = tpu.memref_slice %arg7[%mul3A_25, %dma_start3A_39] : memref<5248x128xf32, #tpu.memory_space<vmem_shared>> -> memref<328x128xf32, #tpu.memory_space<vmem_shared>>
      tpu.enqueue_dma source(%dma_start3A_40 : memref<328x128xf32, #tpu.memory_space<vmem_shared>>) target(%dma_start3A_38 : memref<328x128xf32, #tpu.memory_space<hbm>>) target_semaphore(%run_scoped3A : memref<!tpu.dma_semaphore, #tpu.memory_space<semaphore_mem>>)
      %dma_wait3A = arith.constant 0 : i32
      %dma_wait3A_41 = tpu.memref_slice %arg3[%arg0, %mul3A_25, %dma_wait3A] : memref<2x5248x128xf32, #tpu.memory_space<hbm>> -> memref<1x328x128xf32, #tpu.memory_space<hbm>>
      %dma_wait3A_42 = tpu.memref_squeeze %dma_wait3A_41 : memref<1x328x128xf32, #tpu.memory_space<hbm>> -> memref<328x128xf32, #tpu.memory_space<hbm>>
      %dma_wait3A_43 = arith.constant 0 : i32
      %dma_wait3A_44 = tpu.memref_slice %arg7[%mul3A_25, %dma_wait3A_43] : memref<5248x128xf32, #tpu.memory_space<vmem_shared>> -> memref<328x128xf32, #tpu.memory_space<vmem_shared>>
      tpu.wait_dma2 semaphore(%run_scoped3A : memref<!tpu.dma_semaphore, #tpu.memory_space<semaphore_mem>>) src(%dma_wait3A_44 : memref<328x128xf32, #tpu.memory_space<vmem_shared>>) dst(%dma_wait3A_42 : memref<328x128xf32, #tpu.memory_space<hbm>>)
      tpu.yield
    }) : () -> ()
    return
  }
}

#map = affine_map<(d0, d1) -> (0, 0)>
#map1 = affine_map<(d0, d1) -> (0)>
#map2 = affine_map<(d0, d1) -> (0, 0, 0)>
module attributes {stable_mosaic.version = 14 : i64} {
  func.func @_sc_edge_body(%arg0: i32, %arg1: i32, %arg2: memref<5184x128xf32, #tpu.memory_space<hbm>>, %arg3: memref<5184x128xf32, #tpu.memory_space<hbm>>, %arg4: memref<103680xi32, #tpu.memory_space<hbm>>, %arg5: memref<103680xi32, #tpu.memory_space<hbm>>, %arg6: memref<2x5248x128xf32, #tpu.memory_space<hbm>>, %arg7: memref<120xi32, #tpu.memory_space<vmem>>, %arg8: memref<120xi32, #tpu.memory_space<vmem>>, %arg9: memref<120x128xf32, #tpu.memory_space<vmem>>, %arg10: memref<120x128xf32, #tpu.memory_space<vmem>>, %arg11: memref<328x128xf32, #tpu.memory_space<vmem>>, %arg12: memref<5248x128xf32, #tpu.memory_space<vmem_shared>>, %arg13: memref<!tpu.dma_semaphore, #tpu.memory_space<semaphore_mem>>, %arg14: memref<!tpu.dma_semaphore, #tpu.memory_space<semaphore_mem>>) attributes {dimension_semantics = [#tpu.dimension_semantics<core_parallel>, #tpu.dimension_semantics<subcore_parallel>], iteration_bounds = array<i64: 2, 16>, scalar_prefetch = 0 : i64, scratch_operands = 8 : i64, tpu.core_type = #tpu.core_type<sc_vector_subcore>, window_params = [{transform_indices = #map}, {transform_indices = #map}, {transform_indices = #map1}, {transform_indices = #map1}, {transform_indices = #map2}]} {
    %broadcast_in_dim3A = arith.constant 0.000000e+00 : f32
    %broadcast_in_dim3A_0 = vector.broadcast %broadcast_in_dim3A : f32 to vector<16xf32>
    %scan3A = arith.constant 0 : i32
    %scan3A_1 = arith.constant 0 : i32
    %scan3A_2 = arith.constant 328 : i32
    %scan3A_3 = arith.addi %scan3A_1, %scan3A_2 : i32
    %scan3A_4 = arith.constant 1 : i32
    scf.for %scan3A_18 = %scan3A_1 to %scan3A_3 step %scan3A_4  : i32 {
      %swap3A = arith.index_cast %scan3A_18 : i32 to index
      %swap3A_19 = arith.constant 0 : index
      %swap3A_20 = tpu.vector_load %arg11[%swap3A, %swap3A_19] {strides = array<i32>} : memref<328x128xf32, #tpu.memory_space<vmem>>, vector<1x16xf32>,
      %swap3A_21 = vector.shape_cast %swap3A_20 : vector<1x16xf32> to vector<16xf32>
      %swap3A_22 = vector.shape_cast %broadcast_in_dim3A_0 : vector<16xf32> to vector<1x16xf32>
      tpu.vector_store %arg11[%swap3A, %swap3A_19], %swap3A_22 {strides = array<i32>} : memref<328x128xf32, #tpu.memory_space<vmem>>, vector<1x16xf32>,
      %swap3A_23 = arith.index_cast %scan3A_18 : i32 to index
      %swap3A_24 = arith.constant 16 : index
      %swap3A_25 = tpu.vector_load %arg11[%swap3A_23, %swap3A_24] {strides = array<i32>} : memref<328x128xf32, #tpu.memory_space<vmem>>, vector<1x16xf32>,
      %swap3A_26 = vector.shape_cast %swap3A_25 : vector<1x16xf32> to vector<16xf32>
      %swap3A_27 = vector.shape_cast %broadcast_in_dim3A_0 : vector<16xf32> to vector<1x16xf32>
      tpu.vector_store %arg11[%swap3A_23, %swap3A_24], %swap3A_27 {strides = array<i32>} : memref<328x128xf32, #tpu.memory_space<vmem>>, vector<1x16xf32>,
      %swap3A_28 = arith.index_cast %scan3A_18 : i32 to index
      %swap3A_29 = arith.constant 32 : index
      %swap3A_30 = tpu.vector_load %arg11[%swap3A_28, %swap3A_29] {strides = array<i32>} : memref<328x128xf32, #tpu.memory_space<vmem>>, vector<1x16xf32>,
      %swap3A_31 = vector.shape_cast %swap3A_30 : vector<1x16xf32> to vector<16xf32>
      %swap3A_32 = vector.shape_cast %broadcast_in_dim3A_0 : vector<16xf32> to vector<1x16xf32>
      tpu.vector_store %arg11[%swap3A_28, %swap3A_29], %swap3A_32 {strides = array<i32>} : memref<328x128xf32, #tpu.memory_space<vmem>>, vector<1x16xf32>,
      %swap3A_33 = arith.index_cast %scan3A_18 : i32 to index
      %swap3A_34 = arith.constant 48 : index
      %swap3A_35 = tpu.vector_load %arg11[%swap3A_33, %swap3A_34] {strides = array<i32>} : memref<328x128xf32, #tpu.memory_space<vmem>>, vector<1x16xf32>,
      %swap3A_36 = vector.shape_cast %swap3A_35 : vector<1x16xf32> to vector<16xf32>
      %swap3A_37 = vector.shape_cast %broadcast_in_dim3A_0 : vector<16xf32> to vector<1x16xf32>
      tpu.vector_store %arg11[%swap3A_33, %swap3A_34], %swap3A_37 {strides = array<i32>} : memref<328x128xf32, #tpu.memory_space<vmem>>, vector<1x16xf32>,
      %swap3A_38 = arith.index_cast %scan3A_18 : i32 to index
      %swap3A_39 = arith.constant 64 : index
      %swap3A_40 = tpu.vector_load %arg11[%swap3A_38, %swap3A_39] {strides = array<i32>} : memref<328x128xf32, #tpu.memory_space<vmem>>, vector<1x16xf32>,
      %swap3A_41 = vector.shape_cast %swap3A_40 : vector<1x16xf32> to vector<16xf32>
      %swap3A_42 = vector.shape_cast %broadcast_in_dim3A_0 : vector<16xf32> to vector<1x16xf32>
      tpu.vector_store %arg11[%swap3A_38, %swap3A_39], %swap3A_42 {strides = array<i32>} : memref<328x128xf32, #tpu.memory_space<vmem>>, vector<1x16xf32>,
      %swap3A_43 = arith.index_cast %scan3A_18 : i32 to index
      %swap3A_44 = arith.constant 80 : index
      %swap3A_45 = tpu.vector_load %arg11[%swap3A_43, %swap3A_44] {strides = array<i32>} : memref<328x128xf32, #tpu.memory_space<vmem>>, vector<1x16xf32>,
      %swap3A_46 = vector.shape_cast %swap3A_45 : vector<1x16xf32> to vector<16xf32>
      %swap3A_47 = vector.shape_cast %broadcast_in_dim3A_0 : vector<16xf32> to vector<1x16xf32>
      tpu.vector_store %arg11[%swap3A_43, %swap3A_44], %swap3A_47 {strides = array<i32>} : memref<328x128xf32, #tpu.memory_space<vmem>>, vector<1x16xf32>,
      %swap3A_48 = arith.index_cast %scan3A_18 : i32 to index
      %swap3A_49 = arith.constant 96 : index
      %swap3A_50 = tpu.vector_load %arg11[%swap3A_48, %swap3A_49] {strides = array<i32>} : memref<328x128xf32, #tpu.memory_space<vmem>>, vector<1x16xf32>,
      %swap3A_51 = vector.shape_cast %swap3A_50 : vector<1x16xf32> to vector<16xf32>
      %swap3A_52 = vector.shape_cast %broadcast_in_dim3A_0 : vector<16xf32> to vector<1x16xf32>
      tpu.vector_store %arg11[%swap3A_48, %swap3A_49], %swap3A_52 {strides = array<i32>} : memref<328x128xf32, #tpu.memory_space<vmem>>, vector<1x16xf32>,
      %swap3A_53 = arith.index_cast %scan3A_18 : i32 to index
      %swap3A_54 = arith.constant 112 : index
      %swap3A_55 = tpu.vector_load %arg11[%swap3A_53, %swap3A_54] {strides = array<i32>} : memref<328x128xf32, #tpu.memory_space<vmem>>, vector<1x16xf32>,
      %swap3A_56 = vector.shape_cast %swap3A_55 : vector<1x16xf32> to vector<16xf32>
      %swap3A_57 = vector.shape_cast %broadcast_in_dim3A_0 : vector<16xf32> to vector<1x16xf32>
      tpu.vector_store %arg11[%swap3A_53, %swap3A_54], %swap3A_57 {strides = array<i32>} : memref<328x128xf32, #tpu.memory_space<vmem>>, vector<1x16xf32>,
    }
    %scan3A_5 = arith.constant 328 : i32
    %mul3A = arith.constant 328 : i32
    %mul3A_6 = arith.muli %arg1, %mul3A : i32
    "tpu.region"() ({
      %run_scoped3A = tpu.sem_alloc : memref<!tpu.dma_semaphore, #tpu.memory_space<semaphore_mem>>
      %dma_start3A = arith.constant 0 : i32
      %dma_start3A_18 = tpu.memref_slice %arg12[%mul3A_6, %dma_start3A] : memref<5248x128xf32, #tpu.memory_space<vmem_shared>> -> memref<328x128xf32, #tpu.memory_space<vmem_shared>>
      %dma_start3A_19 = arith.constant 0 : i32
      %dma_start3A_20 = tpu.memref_slice %arg12[%mul3A_6, %dma_start3A_19] : memref<5248x128xf32, #tpu.memory_space<vmem_shared>> -> memref<328x128xf32, #tpu.memory_space<vmem_shared>>
      tpu.enqueue_dma source(%arg11 : memref<328x128xf32, #tpu.memory_space<vmem>>) target(%dma_start3A_20 : memref<328x128xf32, #tpu.memory_space<vmem_shared>>) target_semaphore(%run_scoped3A : memref<!tpu.dma_semaphore, #tpu.memory_space<semaphore_mem>>)
      %dma_wait3A = arith.constant 0 : i32
      %dma_wait3A_21 = tpu.memref_slice %arg12[%mul3A_6, %dma_wait3A] : memref<5248x128xf32, #tpu.memory_space<vmem_shared>> -> memref<328x128xf32, #tpu.memory_space<vmem_shared>>
      %dma_wait3A_22 = arith.constant 0 : i32
      %dma_wait3A_23 = tpu.memref_slice %arg12[%mul3A_6, %dma_wait3A_22] : memref<5248x128xf32, #tpu.memory_space<vmem_shared>> -> memref<328x128xf32, #tpu.memory_space<vmem_shared>>
      tpu.wait_dma2 semaphore(%run_scoped3A : memref<!tpu.dma_semaphore, #tpu.memory_space<semaphore_mem>>) src(%arg11 : memref<328x128xf32, #tpu.memory_space<vmem>>) dst(%dma_wait3A_23 : memref<328x128xf32, #tpu.memory_space<vmem_shared>>)
      tpu.yield
    }) : () -> ()
    %barrier3A = arith.constant 0 : index
    tpu.barrier barrier_id(%barrier3A)
    %mul3A_7 = arith.constant 16 : i32
    %mul3A_8 = arith.muli %arg0, %mul3A_7 : i32
    %add3A = arith.addi %mul3A_8, %arg1 : i32
    %mul3A_9 = arith.constant 3240 : i32
    %mul3A_10 = arith.muli %add3A, %mul3A_9 : i32
    %scan3A_11 = arith.constant 0 : i32
    %scan3A_12 = arith.constant 0 : i32
    %scan3A_13 = arith.constant 27 : i32
    %scan3A_14 = arith.addi %scan3A_12, %scan3A_13 : i32
    %scan3A_15 = arith.constant 1 : i32
    scf.for %scan3A_18 = %scan3A_12 to %scan3A_14 step %scan3A_15  : i32 {
      %mul3A_19 = arith.constant 120 : i32
      %mul3A_20 = arith.muli %scan3A_18, %mul3A_19 : i32
      %add3A_21 = arith.addi %mul3A_10, %mul3A_20 : i32
      "tpu.region"() ({
        %run_scoped3A = tpu.sem_alloc : memref<!tpu.dma_semaphore, #tpu.memory_space<semaphore_mem>>
        %dma_start3A_38 = tpu.memref_slice %arg4[%add3A_21] : memref<103680xi32, #tpu.memory_space<hbm>> -> memref<120xi32, #tpu.memory_space<hbm>>
        %dma_start3A_39 = tpu.memref_slice %arg4[%add3A_21] : memref<103680xi32, #tpu.memory_space<hbm>> -> memref<120xi32, #tpu.memory_space<hbm>>
        tpu.enqueue_dma source(%dma_start3A_39 : memref<120xi32, #tpu.memory_space<hbm>>) target(%arg7 : memref<120xi32, #tpu.memory_space<vmem>>) target_semaphore(%run_scoped3A : memref<!tpu.dma_semaphore, #tpu.memory_space<semaphore_mem>>)
        %dma_wait3A_40 = tpu.memref_slice %arg4[%add3A_21] : memref<103680xi32, #tpu.memory_space<hbm>> -> memref<120xi32, #tpu.memory_space<hbm>>
        %dma_wait3A_41 = tpu.memref_slice %arg4[%add3A_21] : memref<103680xi32, #tpu.memory_space<hbm>> -> memref<120xi32, #tpu.memory_space<hbm>>
        tpu.wait_dma2 semaphore(%run_scoped3A : memref<!tpu.dma_semaphore, #tpu.memory_space<semaphore_mem>>) src(%dma_wait3A_41 : memref<120xi32, #tpu.memory_space<hbm>>) dst(%arg7 : memref<120xi32, #tpu.memory_space<vmem>>)
        tpu.yield
      }) : () -> ()
      "tpu.region"() ({
        %run_scoped3A = tpu.sem_alloc : memref<!tpu.dma_semaphore, #tpu.memory_space<semaphore_mem>>
        %dma_start3A_38 = tpu.memref_slice %arg5[%add3A_21] : memref<103680xi32, #tpu.memory_space<hbm>> -> memref<120xi32, #tpu.memory_space<hbm>>
        %dma_start3A_39 = tpu.memref_slice %arg5[%add3A_21] : memref<103680xi32, #tpu.memory_space<hbm>> -> memref<120xi32, #tpu.memory_space<hbm>>
        tpu.enqueue_dma source(%dma_start3A_39 : memref<120xi32, #tpu.memory_space<hbm>>) target(%arg8 : memref<120xi32, #tpu.memory_space<vmem>>) target_semaphore(%run_scoped3A : memref<!tpu.dma_semaphore, #tpu.memory_space<semaphore_mem>>)
        %dma_wait3A_40 = tpu.memref_slice %arg5[%add3A_21] : memref<103680xi32, #tpu.memory_space<hbm>> -> memref<120xi32, #tpu.memory_space<hbm>>
        %dma_wait3A_41 = tpu.memref_slice %arg5[%add3A_21] : memref<103680xi32, #tpu.memory_space<hbm>> -> memref<120xi32, #tpu.memory_space<hbm>>
        tpu.wait_dma2 semaphore(%run_scoped3A : memref<!tpu.dma_semaphore, #tpu.memory_space<semaphore_mem>>) src(%dma_wait3A_41 : memref<120xi32, #tpu.memory_space<hbm>>) dst(%arg8 : memref<120xi32, #tpu.memory_space<vmem>>)
        tpu.yield
      }) : () -> ()
      %dma_start3A = arith.constant 0 : i32
      %dma_start3A_22 = arith.constant 0 : i32
      %dma_start3A_23 = tpu.memref_slice %arg2[%dma_start3A, %dma_start3A_22] : memref<5184x128xf32, #tpu.memory_space<hbm>> -> memref<5184x128xf32, #tpu.memory_space<hbm>>
      tpu.enqueue_indirect_dma source(%dma_start3A_23 : memref<5184x128xf32, #tpu.memory_space<hbm>>) target(%arg9 : memref<120x128xf32, #tpu.memory_space<vmem>>) offsets(%arg7 : memref<120xi32, #tpu.memory_space<vmem>>) semaphore(%arg13 : memref<!tpu.dma_semaphore, #tpu.memory_space<semaphore_mem>>)
      %dma_start3A_24 = arith.constant 0 : i32
      %dma_start3A_25 = arith.constant 0 : i32
      %dma_start3A_26 = tpu.memref_slice %arg3[%dma_start3A_24, %dma_start3A_25] : memref<5184x128xf32, #tpu.memory_space<hbm>> -> memref<5184x128xf32, #tpu.memory_space<hbm>>
      tpu.enqueue_indirect_dma source(%dma_start3A_26 : memref<5184x128xf32, #tpu.memory_space<hbm>>) target(%arg10 : memref<120x128xf32, #tpu.memory_space<vmem>>) offsets(%arg8 : memref<120xi32, #tpu.memory_space<vmem>>) semaphore(%arg14 : memref<!tpu.dma_semaphore, #tpu.memory_space<semaphore_mem>>)
      %dma_wait3A = arith.constant 0 : i32
      %dma_wait3A_27 = arith.constant 0 : i32
      %dma_wait3A_28 = tpu.memref_slice %arg2[%dma_wait3A, %dma_wait3A_27] : memref<5184x128xf32, #tpu.memory_space<hbm>> -> memref<5184x128xf32, #tpu.memory_space<hbm>>
      tpu.wait_indirect_dma semaphore(%arg13 : memref<!tpu.dma_semaphore, #tpu.memory_space<semaphore_mem>>) src(%dma_wait3A_28 : memref<5184x128xf32, #tpu.memory_space<hbm>>) dst(%arg9 : memref<120x128xf32, #tpu.memory_space<vmem>>)
      %dma_wait3A_29 = arith.constant 0 : i32
      %dma_wait3A_30 = arith.constant 0 : i32
      %dma_wait3A_31 = tpu.memref_slice %arg3[%dma_wait3A_29, %dma_wait3A_30] : memref<5184x128xf32, #tpu.memory_space<hbm>> -> memref<5184x128xf32, #tpu.memory_space<hbm>>
      tpu.wait_indirect_dma semaphore(%arg14 : memref<!tpu.dma_semaphore, #tpu.memory_space<semaphore_mem>>) src(%dma_wait3A_31 : memref<5184x128xf32, #tpu.memory_space<hbm>>) dst(%arg10 : memref<120x128xf32, #tpu.memory_space<vmem>>)
      %scan3A_32 = arith.constant 0 : i32
      %scan3A_33 = arith.constant 0 : i32
      %scan3A_34 = arith.constant 120 : i32
      %scan3A_35 = arith.addi %scan3A_33, %scan3A_34 : i32
      %scan3A_36 = arith.constant 1 : i32
      scf.for %scan3A_38 = %scan3A_33 to %scan3A_35 step %scan3A_36  : i32 {
        %get3A = arith.index_cast %scan3A_38 : i32 to index
        %get3A_39 = arith.constant 0 : index
        %get3A_40 = tpu.vector_load %arg9[%get3A, %get3A_39] {strides = array<i32>} : memref<120x128xf32, #tpu.memory_space<vmem>>, vector<1x16xf32>,
        %get3A_41 = vector.shape_cast %get3A_40 : vector<1x16xf32> to vector<16xf32>
        %get3A_42 = arith.index_cast %scan3A_38 : i32 to index
        %get3A_43 = arith.constant 0 : index
        %get3A_44 = tpu.vector_load %arg10[%get3A_42, %get3A_43] {strides = array<i32>} : memref<120x128xf32, #tpu.memory_space<vmem>>, vector<1x16xf32>,
        %get3A_45 = vector.shape_cast %get3A_44 : vector<1x16xf32> to vector<16xf32>
        %add3A_46 = arith.addf %get3A_41, %get3A_45 : vector<16xf32>
        %max3A = arith.constant 0.000000e+00 : f32
        %max3A_47 = vector.broadcast %max3A : f32 to vector<16xf32>
        %max3A_48 = arith.maximumf %add3A_46, %max3A_47 : vector<16xf32>
        %swap3A = arith.index_cast %scan3A_38 : i32 to index
        %swap3A_49 = arith.constant 0 : index
        %swap3A_50 = tpu.vector_load %arg9[%swap3A, %swap3A_49] {strides = array<i32>} : memref<120x128xf32, #tpu.memory_space<vmem>>, vector<1x16xf32>,
        %swap3A_51 = vector.shape_cast %swap3A_50 : vector<1x16xf32> to vector<16xf32>
        %swap3A_52 = vector.shape_cast %max3A_48 : vector<16xf32> to vector<1x16xf32>
        tpu.vector_store %arg9[%swap3A, %swap3A_49], %swap3A_52 {strides = array<i32>} : memref<120x128xf32, #tpu.memory_space<vmem>>, vector<1x16xf32>,
        %get3A_53 = arith.index_cast %scan3A_38 : i32 to index
        %get3A_54 = arith.constant 16 : index
        %get3A_55 = tpu.vector_load %arg9[%get3A_53, %get3A_54] {strides = array<i32>} : memref<120x128xf32, #tpu.memory_space<vmem>>, vector<1x16xf32>,
        %get3A_56 = vector.shape_cast %get3A_55 : vector<1x16xf32> to vector<16xf32>
        %get3A_57 = arith.index_cast %scan3A_38 : i32 to index
        %get3A_58 = arith.constant 16 : index
        %get3A_59 = tpu.vector_load %arg10[%get3A_57, %get3A_58] {strides = array<i32>} : memref<120x128xf32, #tpu.memory_space<vmem>>, vector<1x16xf32>,
        %get3A_60 = vector.shape_cast %get3A_59 : vector<1x16xf32> to vector<16xf32>
        %add3A_61 = arith.addf %get3A_56, %get3A_60 : vector<16xf32>
        %max3A_62 = arith.constant 0.000000e+00 : f32
        %max3A_63 = vector.broadcast %max3A_62 : f32 to vector<16xf32>
        %max3A_64 = arith.maximumf %add3A_61, %max3A_63 : vector<16xf32>
        %swap3A_65 = arith.index_cast %scan3A_38 : i32 to index
        %swap3A_66 = arith.constant 16 : index
        %swap3A_67 = tpu.vector_load %arg9[%swap3A_65, %swap3A_66] {strides = array<i32>} : memref<120x128xf32, #tpu.memory_space<vmem>>, vector<1x16xf32>,
        %swap3A_68 = vector.shape_cast %swap3A_67 : vector<1x16xf32> to vector<16xf32>
        %swap3A_69 = vector.shape_cast %max3A_64 : vector<16xf32> to vector<1x16xf32>
        tpu.vector_store %arg9[%swap3A_65, %swap3A_66], %swap3A_69 {strides = array<i32>} : memref<120x128xf32, #tpu.memory_space<vmem>>, vector<1x16xf32>,
        %get3A_70 = arith.index_cast %scan3A_38 : i32 to index
        %get3A_71 = arith.constant 32 : index
        %get3A_72 = tpu.vector_load %arg9[%get3A_70, %get3A_71] {strides = array<i32>} : memref<120x128xf32, #tpu.memory_space<vmem>>, vector<1x16xf32>,
        %get3A_73 = vector.shape_cast %get3A_72 : vector<1x16xf32> to vector<16xf32>
        %get3A_74 = arith.index_cast %scan3A_38 : i32 to index
        %get3A_75 = arith.constant 32 : index
        %get3A_76 = tpu.vector_load %arg10[%get3A_74, %get3A_75] {strides = array<i32>} : memref<120x128xf32, #tpu.memory_space<vmem>>, vector<1x16xf32>,
        %get3A_77 = vector.shape_cast %get3A_76 : vector<1x16xf32> to vector<16xf32>
        %add3A_78 = arith.addf %get3A_73, %get3A_77 : vector<16xf32>
        %max3A_79 = arith.constant 0.000000e+00 : f32
        %max3A_80 = vector.broadcast %max3A_79 : f32 to vector<16xf32>
        %max3A_81 = arith.maximumf %add3A_78, %max3A_80 : vector<16xf32>
        %swap3A_82 = arith.index_cast %scan3A_38 : i32 to index
        %swap3A_83 = arith.constant 32 : index
        %swap3A_84 = tpu.vector_load %arg9[%swap3A_82, %swap3A_83] {strides = array<i32>} : memref<120x128xf32, #tpu.memory_space<vmem>>, vector<1x16xf32>,
        %swap3A_85 = vector.shape_cast %swap3A_84 : vector<1x16xf32> to vector<16xf32>
        %swap3A_86 = vector.shape_cast %max3A_81 : vector<16xf32> to vector<1x16xf32>
        tpu.vector_store %arg9[%swap3A_82, %swap3A_83], %swap3A_86 {strides = array<i32>} : memref<120x128xf32, #tpu.memory_space<vmem>>, vector<1x16xf32>,
        %get3A_87 = arith.index_cast %scan3A_38 : i32 to index
        %get3A_88 = arith.constant 48 : index
        %get3A_89 = tpu.vector_load %arg9[%get3A_87, %get3A_88] {strides = array<i32>} : memref<120x128xf32, #tpu.memory_space<vmem>>, vector<1x16xf32>,
        %get3A_90 = vector.shape_cast %get3A_89 : vector<1x16xf32> to vector<16xf32>
        %get3A_91 = arith.index_cast %scan3A_38 : i32 to index
        %get3A_92 = arith.constant 48 : index
        %get3A_93 = tpu.vector_load %arg10[%get3A_91, %get3A_92] {strides = array<i32>} : memref<120x128xf32, #tpu.memory_space<vmem>>, vector<1x16xf32>,
        %get3A_94 = vector.shape_cast %get3A_93 : vector<1x16xf32> to vector<16xf32>
        %add3A_95 = arith.addf %get3A_90, %get3A_94 : vector<16xf32>
        %max3A_96 = arith.constant 0.000000e+00 : f32
        %max3A_97 = vector.broadcast %max3A_96 : f32 to vector<16xf32>
        %max3A_98 = arith.maximumf %add3A_95, %max3A_97 : vector<16xf32>
        %swap3A_99 = arith.index_cast %scan3A_38 : i32 to index
        %swap3A_100 = arith.constant 48 : index
        %swap3A_101 = tpu.vector_load %arg9[%swap3A_99, %swap3A_100] {strides = array<i32>} : memref<120x128xf32, #tpu.memory_space<vmem>>, vector<1x16xf32>,
        %swap3A_102 = vector.shape_cast %swap3A_101 : vector<1x16xf32> to vector<16xf32>
        %swap3A_103 = vector.shape_cast %max3A_98 : vector<16xf32> to vector<1x16xf32>
        tpu.vector_store %arg9[%swap3A_99, %swap3A_100], %swap3A_103 {strides = array<i32>} : memref<120x128xf32, #tpu.memory_space<vmem>>, vector<1x16xf32>,
        %get3A_104 = arith.index_cast %scan3A_38 : i32 to index
        %get3A_105 = arith.constant 64 : index
        %get3A_106 = tpu.vector_load %arg9[%get3A_104, %get3A_105] {strides = array<i32>} : memref<120x128xf32, #tpu.memory_space<vmem>>, vector<1x16xf32>,
        %get3A_107 = vector.shape_cast %get3A_106 : vector<1x16xf32> to vector<16xf32>
        %get3A_108 = arith.index_cast %scan3A_38 : i32 to index
        %get3A_109 = arith.constant 64 : index
        %get3A_110 = tpu.vector_load %arg10[%get3A_108, %get3A_109] {strides = array<i32>} : memref<120x128xf32, #tpu.memory_space<vmem>>, vector<1x16xf32>,
        %get3A_111 = vector.shape_cast %get3A_110 : vector<1x16xf32> to vector<16xf32>
        %add3A_112 = arith.addf %get3A_107, %get3A_111 : vector<16xf32>
        %max3A_113 = arith.constant 0.000000e+00 : f32
        %max3A_114 = vector.broadcast %max3A_113 : f32 to vector<16xf32>
        %max3A_115 = arith.maximumf %add3A_112, %max3A_114 : vector<16xf32>
        %swap3A_116 = arith.index_cast %scan3A_38 : i32 to index
        %swap3A_117 = arith.constant 64 : index
        %swap3A_118 = tpu.vector_load %arg9[%swap3A_116, %swap3A_117] {strides = array<i32>} : memref<120x128xf32, #tpu.memory_space<vmem>>, vector<1x16xf32>,
        %swap3A_119 = vector.shape_cast %swap3A_118 : vector<1x16xf32> to vector<16xf32>
        %swap3A_120 = vector.shape_cast %max3A_115 : vector<16xf32> to vector<1x16xf32>
        tpu.vector_store %arg9[%swap3A_116, %swap3A_117], %swap3A_120 {strides = array<i32>} : memref<120x128xf32, #tpu.memory_space<vmem>>, vector<1x16xf32>,
        %get3A_121 = arith.index_cast %scan3A_38 : i32 to index
        %get3A_122 = arith.constant 80 : index
        %get3A_123 = tpu.vector_load %arg9[%get3A_121, %get3A_122] {strides = array<i32>} : memref<120x128xf32, #tpu.memory_space<vmem>>, vector<1x16xf32>,
        %get3A_124 = vector.shape_cast %get3A_123 : vector<1x16xf32> to vector<16xf32>
        %get3A_125 = arith.index_cast %scan3A_38 : i32 to index
        %get3A_126 = arith.constant 80 : index
        %get3A_127 = tpu.vector_load %arg10[%get3A_125, %get3A_126] {strides = array<i32>} : memref<120x128xf32, #tpu.memory_space<vmem>>, vector<1x16xf32>,
        %get3A_128 = vector.shape_cast %get3A_127 : vector<1x16xf32> to vector<16xf32>
        %add3A_129 = arith.addf %get3A_124, %get3A_128 : vector<16xf32>
        %max3A_130 = arith.constant 0.000000e+00 : f32
        %max3A_131 = vector.broadcast %max3A_130 : f32 to vector<16xf32>
        %max3A_132 = arith.maximumf %add3A_129, %max3A_131 : vector<16xf32>
        %swap3A_133 = arith.index_cast %scan3A_38 : i32 to index
        %swap3A_134 = arith.constant 80 : index
        %swap3A_135 = tpu.vector_load %arg9[%swap3A_133, %swap3A_134] {strides = array<i32>} : memref<120x128xf32, #tpu.memory_space<vmem>>, vector<1x16xf32>,
        %swap3A_136 = vector.shape_cast %swap3A_135 : vector<1x16xf32> to vector<16xf32>
        %swap3A_137 = vector.shape_cast %max3A_132 : vector<16xf32> to vector<1x16xf32>
        tpu.vector_store %arg9[%swap3A_133, %swap3A_134], %swap3A_137 {strides = array<i32>} : memref<120x128xf32, #tpu.memory_space<vmem>>, vector<1x16xf32>,
        %get3A_138 = arith.index_cast %scan3A_38 : i32 to index
        %get3A_139 = arith.constant 96 : index
        %get3A_140 = tpu.vector_load %arg9[%get3A_138, %get3A_139] {strides = array<i32>} : memref<120x128xf32, #tpu.memory_space<vmem>>, vector<1x16xf32>,
        %get3A_141 = vector.shape_cast %get3A_140 : vector<1x16xf32> to vector<16xf32>
        %get3A_142 = arith.index_cast %scan3A_38 : i32 to index
        %get3A_143 = arith.constant 96 : index
        %get3A_144 = tpu.vector_load %arg10[%get3A_142, %get3A_143] {strides = array<i32>} : memref<120x128xf32, #tpu.memory_space<vmem>>, vector<1x16xf32>,
        %get3A_145 = vector.shape_cast %get3A_144 : vector<1x16xf32> to vector<16xf32>
        %add3A_146 = arith.addf %get3A_141, %get3A_145 : vector<16xf32>
        %max3A_147 = arith.constant 0.000000e+00 : f32
        %max3A_148 = vector.broadcast %max3A_147 : f32 to vector<16xf32>
        %max3A_149 = arith.maximumf %add3A_146, %max3A_148 : vector<16xf32>
        %swap3A_150 = arith.index_cast %scan3A_38 : i32 to index
        %swap3A_151 = arith.constant 96 : index
        %swap3A_152 = tpu.vector_load %arg9[%swap3A_150, %swap3A_151] {strides = array<i32>} : memref<120x128xf32, #tpu.memory_space<vmem>>, vector<1x16xf32>,
        %swap3A_153 = vector.shape_cast %swap3A_152 : vector<1x16xf32> to vector<16xf32>
        %swap3A_154 = vector.shape_cast %max3A_149 : vector<16xf32> to vector<1x16xf32>
        tpu.vector_store %arg9[%swap3A_150, %swap3A_151], %swap3A_154 {strides = array<i32>} : memref<120x128xf32, #tpu.memory_space<vmem>>, vector<1x16xf32>,
        %get3A_155 = arith.index_cast %scan3A_38 : i32 to index
        %get3A_156 = arith.constant 112 : index
        %get3A_157 = tpu.vector_load %arg9[%get3A_155, %get3A_156] {strides = array<i32>} : memref<120x128xf32, #tpu.memory_space<vmem>>, vector<1x16xf32>,
        %get3A_158 = vector.shape_cast %get3A_157 : vector<1x16xf32> to vector<16xf32>
        %get3A_159 = arith.index_cast %scan3A_38 : i32 to index
        %get3A_160 = arith.constant 112 : index
        %get3A_161 = tpu.vector_load %arg10[%get3A_159, %get3A_160] {strides = array<i32>} : memref<120x128xf32, #tpu.memory_space<vmem>>, vector<1x16xf32>,
        %get3A_162 = vector.shape_cast %get3A_161 : vector<1x16xf32> to vector<16xf32>
        %add3A_163 = arith.addf %get3A_158, %get3A_162 : vector<16xf32>
        %max3A_164 = arith.constant 0.000000e+00 : f32
        %max3A_165 = vector.broadcast %max3A_164 : f32 to vector<16xf32>
        %max3A_166 = arith.maximumf %add3A_163, %max3A_165 : vector<16xf32>
        %swap3A_167 = arith.index_cast %scan3A_38 : i32 to index
        %swap3A_168 = arith.constant 112 : index
        %swap3A_169 = tpu.vector_load %arg9[%swap3A_167, %swap3A_168] {strides = array<i32>} : memref<120x128xf32, #tpu.memory_space<vmem>>, vector<1x16xf32>,
        %swap3A_170 = vector.shape_cast %swap3A_169 : vector<1x16xf32> to vector<16xf32>
        %swap3A_171 = vector.shape_cast %max3A_166 : vector<16xf32> to vector<1x16xf32>
        tpu.vector_store %arg9[%swap3A_167, %swap3A_168], %swap3A_171 {strides = array<i32>} : memref<120x128xf32, #tpu.memory_space<vmem>>, vector<1x16xf32>,
      }
      %scan3A_37 = arith.constant 120 : i32
      "tpu.region"() ({
        %run_scoped3A = tpu.sem_alloc : memref<!tpu.dma_semaphore, #tpu.memory_space<semaphore_mem>>
        %dma_start3A_38 = arith.constant 0 : i32
        %dma_start3A_39 = arith.constant 0 : i32
        %dma_start3A_40 = tpu.memref_slice %arg12[%dma_start3A_38, %dma_start3A_39] : memref<5248x128xf32, #tpu.memory_space<vmem_shared>> -> memref<5248x128xf32, #tpu.memory_space<vmem_shared>>
        tpu.enqueue_indirect_dma source(%arg9 : memref<120x128xf32, #tpu.memory_space<vmem>>) target(%dma_start3A_40 : memref<5248x128xf32, #tpu.memory_space<vmem_shared>>) offsets(%arg8 : memref<120xi32, #tpu.memory_space<vmem>>) semaphore(%run_scoped3A : memref<!tpu.dma_semaphore, #tpu.memory_space<semaphore_mem>>) {add = true}
        %dma_wait3A_41 = arith.constant 0 : i32
        %dma_wait3A_42 = arith.constant 0 : i32
        %dma_wait3A_43 = tpu.memref_slice %arg12[%dma_wait3A_41, %dma_wait3A_42] : memref<5248x128xf32, #tpu.memory_space<vmem_shared>> -> memref<5248x128xf32, #tpu.memory_space<vmem_shared>>
        tpu.wait_indirect_dma semaphore(%run_scoped3A : memref<!tpu.dma_semaphore, #tpu.memory_space<semaphore_mem>>) src(%arg9 : memref<120x128xf32, #tpu.memory_space<vmem>>) dst(%dma_wait3A_43 : memref<5248x128xf32, #tpu.memory_space<vmem_shared>>)
        tpu.yield
      }) : () -> ()
    }
    %scan3A_16 = arith.constant 27 : i32
    %barrier3A_17 = arith.constant 0 : index
    tpu.barrier barrier_id(%barrier3A_17)
    "tpu.region"() ({
      %run_scoped3A = tpu.sem_alloc : memref<!tpu.dma_semaphore, #tpu.memory_space<semaphore_mem>>
      %dma_start3A = arith.constant 0 : i32
      %dma_start3A_18 = tpu.memref_slice %arg6[%arg0, %mul3A_6, %dma_start3A] : memref<2x5248x128xf32, #tpu.memory_space<hbm>> -> memref<1x328x128xf32, #tpu.memory_space<hbm>>
      %dma_start3A_19 = tpu.memref_squeeze %dma_start3A_18 : memref<1x328x128xf32, #tpu.memory_space<hbm>> -> memref<328x128xf32, #tpu.memory_space<hbm>>
      %dma_start3A_20 = arith.constant 0 : i32
      %dma_start3A_21 = tpu.memref_slice %arg12[%mul3A_6, %dma_start3A_20] : memref<5248x128xf32, #tpu.memory_space<vmem_shared>> -> memref<328x128xf32, #tpu.memory_space<vmem_shared>>
      tpu.enqueue_dma source(%dma_start3A_21 : memref<328x128xf32, #tpu.memory_space<vmem_shared>>) target(%dma_start3A_19 : memref<328x128xf32, #tpu.memory_space<hbm>>) target_semaphore(%run_scoped3A : memref<!tpu.dma_semaphore, #tpu.memory_space<semaphore_mem>>)
      %dma_wait3A = arith.constant 0 : i32
      %dma_wait3A_22 = tpu.memref_slice %arg6[%arg0, %mul3A_6, %dma_wait3A] : memref<2x5248x128xf32, #tpu.memory_space<hbm>> -> memref<1x328x128xf32, #tpu.memory_space<hbm>>
      %dma_wait3A_23 = tpu.memref_squeeze %dma_wait3A_22 : memref<1x328x128xf32, #tpu.memory_space<hbm>> -> memref<328x128xf32, #tpu.memory_space<hbm>>
      %dma_wait3A_24 = arith.constant 0 : i32
      %dma_wait3A_25 = tpu.memref_slice %arg12[%mul3A_6, %dma_wait3A_24] : memref<5248x128xf32, #tpu.memory_space<vmem_shared>> -> memref<328x128xf32, #tpu.memory_space<vmem_shared>>
      tpu.wait_dma2 semaphore(%run_scoped3A : memref<!tpu.dma_semaphore, #tpu.memory_space<semaphore_mem>>) src(%dma_wait3A_25 : memref<328x128xf32, #tpu.memory_space<vmem_shared>>) dst(%dma_wait3A_23 : memref<328x128xf32, #tpu.memory_space<hbm>>)
      tpu.yield
    }) : () -> ()
    return
  }
}

module attributes {stable_mosaic.version = 14 : i64} {
  func.func @_wcomb_body(%arg0: memref<128x128xf32, #tpu.memory_space<vmem>>, %arg1: memref<128x384xf32, #tpu.memory_space<vmem>>, %arg2: memref<1x128xf32, #tpu.memory_space<vmem>>, %arg3: memref<128x384xf32, #tpu.memory_space<vmem>>, %arg4: memref<1x384xf32, #tpu.memory_space<vmem>>) attributes {dimension_semantics = [], scalar_prefetch = 0 : i64, scratch_operands = 0 : i64, tpu.core_type = #tpu.core_type<tc>} {
    %get3A = arith.constant 0 : index
    %get3A_0 = arith.constant 0 : index
    %get3A_1 = vector.load %arg0[%get3A, %get3A_0] : memref<128x128xf32, #tpu.memory_space<vmem>>, vector<128x128xf32>
    %get3A_2 = arith.constant 0 : index
    %get3A_3 = arith.constant 0 : index
    %get3A_4 = vector.load %arg1[%get3A_2, %get3A_3] : memref<128x384xf32, #tpu.memory_space<vmem>>, vector<128x384xf32>
    %dot_general3A = arith.constant dense<0.000000e+00> : vector<128x384xf32>
    %dot_general3A_5 = tpu.matmul %get3A_1, %get3A_4, %dot_general3A {dimension_numbers = #tpu.dot_dimension_numbers<[1], [0], [0], [1], [0, 0, 1, 1], [], []>, transpose_lhs_hint = false} : vector<128x128xf32>, vector<128x384xf32>, vector<128x384xf32> -> vector<128x384xf32>
    %swap3A = arith.constant 0 : index
    %swap3A_6 = arith.constant 0 : index
    %swap3A_7 = vector.load %arg3[%swap3A, %swap3A_6] : memref<128x384xf32, #tpu.memory_space<vmem>>, vector<128x384xf32>
    tpu.vector_store %arg3[%swap3A, %swap3A_6], %dot_general3A_5 {strides = array<i32>} : memref<128x384xf32, #tpu.memory_space<vmem>>, vector<128x384xf32>,
    %get3A_8 = arith.constant 0 : index
    %get3A_9 = arith.constant 0 : index
    %get3A_10 = vector.load %arg2[%get3A_8, %get3A_9] : memref<1x128xf32, #tpu.memory_space<vmem>>, vector<1x128xf32>
    %get3A_11 = arith.constant 0 : index
    %get3A_12 = arith.constant 0 : index
    %get3A_13 = vector.load %arg1[%get3A_11, %get3A_12] : memref<128x384xf32, #tpu.memory_space<vmem>>, vector<128x384xf32>
    %dot_general3A_14 = arith.constant dense<0.000000e+00> : vector<1x384xf32>
    %dot_general3A_15 = tpu.matmul %get3A_10, %get3A_13, %dot_general3A_14 {dimension_numbers = #tpu.dot_dimension_numbers<[1], [0], [0], [1], [0, 0, 1, 1], [], []>, transpose_lhs_hint = false} : vector<1x128xf32>, vector<128x384xf32>, vector<1x384xf32> -> vector<1x384xf32>
    %swap3A_16 = arith.constant 0 : index
    %swap3A_17 = arith.constant 0 : index
    %swap3A_18 = vector.load %arg4[%swap3A_16, %swap3A_17] : memref<1x384xf32, #tpu.memory_space<vmem>>, vector<1x384xf32>
    tpu.vector_store %arg4[%swap3A_16, %swap3A_17], %dot_general3A_15 {strides = array<i32>} : memref<1x384xf32, #tpu.memory_space<vmem>>, vector<1x384xf32>,
    return
  }
}

module attributes {stable_mosaic.version = 14 : i64} {
  func.func @_init_body(%arg0: i32, %arg1: memref<648x16xf32, #tpu.memory_space<vmem>>, %arg2: memref<16x128xf32, #tpu.memory_space<vmem>>, %arg3: memref<1x128xf32, #tpu.memory_space<vmem>>, %arg4: memref<1x128xf32, #tpu.memory_space<vmem>>, %arg5: memref<1x128xf32, #tpu.memory_space<vmem>>, %arg6: memref<648x128xf32, #tpu.memory_space<vmem>>, %arg7: memref<128x128xf32, #tpu.memory_space<vmem>>, %arg8: memref<128x128xf32, #tpu.memory_space<vmem>>, %arg9: memref<1x128xf32, #tpu.memory_space<vmem>>, %arg10: memref<648x128xf32, #tpu.memory_space<vmem>>, %arg11: memref<648x128xf32, #tpu.memory_space<vmem>>, %arg12: memref<648x128xf32, #tpu.memory_space<vmem>>) attributes {dimension_semantics = [#tpu.dimension_semantics<arbitrary>], iteration_bounds = array<i64: 8>, scalar_prefetch = 0 : i64, scratch_operands = 0 : i64, tpu.core_type = #tpu.core_type<tc>, window_params = [{transform_indices = @transform_0, window_bounds = array<i64: 648, 16>}, {pipeline_mode = #tpu.pipeline_mode<synchronous>, transform_indices = @transform_1, window_bounds = array<i64: 16, 128>}, {pipeline_mode = #tpu.pipeline_mode<synchronous>, transform_indices = @transform_2, window_bounds = array<i64: 1, 128>}, {pipeline_mode = #tpu.pipeline_mode<synchronous>, transform_indices = @transform_3, window_bounds = array<i64: 1, 128>}, {pipeline_mode = #tpu.pipeline_mode<synchronous>, transform_indices = @transform_4, window_bounds = array<i64: 1, 128>}, {transform_indices = @transform_5, window_bounds = array<i64: 648, 128>}, {pipeline_mode = #tpu.pipeline_mode<synchronous>, transform_indices = @transform_6, window_bounds = array<i64: 128, 128>}, {pipeline_mode = #tpu.pipeline_mode<synchronous>, transform_indices = @transform_7, window_bounds = array<i64: 128, 128>}, {pipeline_mode = #tpu.pipeline_mode<synchronous>, transform_indices = @transform_8, window_bounds = array<i64: 1, 128>}, {transform_indices = @transform_9, window_bounds = array<i64: 648, 128>}, {transform_indices = @transform_10, window_bounds = array<i64: 648, 128>}, {transform_indices = @transform_11, window_bounds = array<i64: 648, 128>}]} {
    %get3A = arith.constant 0 : index
    %get3A_0 = arith.constant 0 : index
    %get3A_1 = vector.load %arg1[%get3A, %get3A_0] : memref<648x16xf32, #tpu.memory_space<vmem>>, vector<648x16xf32>
    %get3A_2 = arith.constant 0 : index
    %get3A_3 = arith.constant 0 : index
    %get3A_4 = vector.load %arg2[%get3A_2, %get3A_3] : memref<16x128xf32, #tpu.memory_space<vmem>>, vector<16x128xf32>
    %dot_general3A = arith.constant dense<0.000000e+00> : vector<648x128xf32>
    %dot_general3A_5 = tpu.matmul %get3A_1, %get3A_4, %dot_general3A {dimension_numbers = #tpu.dot_dimension_numbers<[1], [0], [0], [1], [0, 0, 1, 1], [], []>, transpose_lhs_hint = false} : vector<648x16xf32>, vector<16x128xf32>, vector<648x128xf32> -> vector<648x128xf32>
    %get3A_6 = arith.constant 0 : index
    %get3A_7 = arith.constant 0 : index
    %get3A_8 = vector.load %arg3[%get3A_6, %get3A_7] : memref<1x128xf32, #tpu.memory_space<vmem>>, vector<1x128xf32>
    %add3A = vector.broadcast %get3A_8 : vector<1x128xf32> to vector<648x128xf32>
    %add3A_9 = arith.addf %dot_general3A_5, %add3A : vector<648x128xf32>
    %reduce_sum3A = arith.constant dense<0.000000e+00> : vector<648xf32>
    %reduce_sum3A_10 = vector.multi_reduction <add>, %add3A_9, %reduce_sum3A [1] : vector<648x128xf32> to vector<648xf32>
    %broadcast_in_dim3A = vector.shape_cast %reduce_sum3A_10 : vector<648xf32> to vector<648x1xf32>
    %div3A = arith.constant 1.280000e+02 : f32
    %div3A_11 = vector.broadcast %div3A : f32 to vector<648x1xf32>
    %div3A_12 = arith.divf %broadcast_in_dim3A, %div3A_11 : vector<648x1xf32>
    %sub3A = vector.broadcast %div3A_12 : vector<648x1xf32> to vector<648x128xf32>
    %sub3A_13 = arith.subf %add3A_9, %sub3A : vector<648x128xf32>
    %integer_pow3A = arith.mulf %sub3A_13, %sub3A_13 : vector<648x128xf32>
    %reduce_sum3A_14 = arith.constant dense<0.000000e+00> : vector<648xf32>
    %reduce_sum3A_15 = vector.multi_reduction <add>, %integer_pow3A, %reduce_sum3A_14 [1] : vector<648x128xf32> to vector<648xf32>
    %broadcast_in_dim3A_16 = vector.shape_cast %reduce_sum3A_15 : vector<648xf32> to vector<648x1xf32>
    %div3A_17 = arith.constant 1.280000e+02 : f32
    %div3A_18 = vector.broadcast %div3A_17 : f32 to vector<648x1xf32>
    %div3A_19 = arith.divf %broadcast_in_dim3A_16, %div3A_18 : vector<648x1xf32>
    %sub3A_20 = vector.broadcast %div3A_12 : vector<648x1xf32> to vector<648x128xf32>
    %sub3A_21 = arith.subf %add3A_9, %sub3A_20 : vector<648x128xf32>
    %add3A_22 = arith.constant 9.99999974E-6 : f32
    %add3A_23 = vector.broadcast %add3A_22 : f32 to vector<648x1xf32>
    %add3A_24 = arith.addf %div3A_19, %add3A_23 : vector<648x1xf32>
    %sqrt3A = math.sqrt %add3A_24 : vector<648x1xf32>
    %div3A_25 = vector.broadcast %sqrt3A : vector<648x1xf32> to vector<648x128xf32>
    %div3A_26 = arith.divf %sub3A_21, %div3A_25 : vector<648x128xf32>
    %get3A_27 = arith.constant 0 : index
    %get3A_28 = arith.constant 0 : index
    %get3A_29 = vector.load %arg4[%get3A_27, %get3A_28] : memref<1x128xf32, #tpu.memory_space<vmem>>, vector<1x128xf32>
    %mul3A = vector.broadcast %get3A_29 : vector<1x128xf32> to vector<648x128xf32>
    %mul3A_30 = arith.mulf %div3A_26, %mul3A : vector<648x128xf32>
    %get3A_31 = arith.constant 0 : index
    %get3A_32 = arith.constant 0 : index
    %get3A_33 = vector.load %arg5[%get3A_31, %get3A_32] : memref<1x128xf32, #tpu.memory_space<vmem>>, vector<1x128xf32>
    %add3A_34 = vector.broadcast %get3A_33 : vector<1x128xf32> to vector<648x128xf32>
    %add3A_35 = arith.addf %mul3A_30, %add3A_34 : vector<648x128xf32>
    %get3A_36 = arith.constant 0 : index
    %get3A_37 = arith.constant 0 : index
    %get3A_38 = vector.load %arg6[%get3A_36, %get3A_37] : memref<648x128xf32, #tpu.memory_space<vmem>>, vector<648x128xf32>
    %add3A_39 = arith.addf %add3A_35, %get3A_38 : vector<648x128xf32>
    %swap3A = arith.constant 0 : index
    %swap3A_40 = arith.constant 0 : index
    %swap3A_41 = vector.load %arg10[%swap3A, %swap3A_40] : memref<648x128xf32, #tpu.memory_space<vmem>>, vector<648x128xf32>
    tpu.vector_store %arg10[%swap3A, %swap3A_40], %add3A_39 {strides = array<i32>} : memref<648x128xf32, #tpu.memory_space<vmem>>, vector<648x128xf32>,
    %get3A_42 = arith.constant 0 : index
    %get3A_43 = arith.constant 0 : index
    %get3A_44 = vector.load %arg7[%get3A_42, %get3A_43] : memref<128x128xf32, #tpu.memory_space<vmem>>, vector<128x128xf32>
    %dot_general3A_45 = arith.constant dense<0.000000e+00> : vector<648x128xf32>
    %dot_general3A_46 = tpu.matmul %add3A_39, %get3A_44, %dot_general3A_45 {dimension_numbers = #tpu.dot_dimension_numbers<[1], [0], [0], [1], [0, 0, 1, 1], [], []>, transpose_lhs_hint = false} : vector<648x128xf32>, vector<128x128xf32>, vector<648x128xf32> -> vector<648x128xf32>
    %get3A_47 = arith.constant 0 : index
    %get3A_48 = arith.constant 0 : index
    %get3A_49 = vector.load %arg9[%get3A_47, %get3A_48] : memref<1x128xf32, #tpu.memory_space<vmem>>, vector<1x128xf32>
    %add3A_50 = vector.broadcast %get3A_49 : vector<1x128xf32> to vector<648x128xf32>
    %add3A_51 = arith.addf %dot_general3A_46, %add3A_50 : vector<648x128xf32>
    %swap3A_52 = arith.constant 0 : index
    %swap3A_53 = arith.constant 0 : index
    %swap3A_54 = vector.load %arg11[%swap3A_52, %swap3A_53] : memref<648x128xf32, #tpu.memory_space<vmem>>, vector<648x128xf32>
    tpu.vector_store %arg11[%swap3A_52, %swap3A_53], %add3A_51 {strides = array<i32>} : memref<648x128xf32, #tpu.memory_space<vmem>>, vector<648x128xf32>,
    %get3A_55 = arith.constant 0 : index
    %get3A_56 = arith.constant 0 : index
    %get3A_57 = vector.load %arg8[%get3A_55, %get3A_56] : memref<128x128xf32, #tpu.memory_space<vmem>>, vector<128x128xf32>
    %dot_general3A_58 = arith.constant dense<0.000000e+00> : vector<648x128xf32>
    %dot_general3A_59 = tpu.matmul %add3A_39, %get3A_57, %dot_general3A_58 {dimension_numbers = #tpu.dot_dimension_numbers<[1], [0], [0], [1], [0, 0, 1, 1], [], []>, transpose_lhs_hint = false} : vector<648x128xf32>, vector<128x128xf32>, vector<648x128xf32> -> vector<648x128xf32>
    %swap3A_60 = arith.constant 0 : index
    %swap3A_61 = arith.constant 0 : index
    %swap3A_62 = vector.load %arg12[%swap3A_60, %swap3A_61] : memref<648x128xf32, #tpu.memory_space<vmem>>, vector<648x128xf32>
    tpu.vector_store %arg12[%swap3A_60, %swap3A_61], %dot_general3A_59 {strides = array<i32>} : memref<648x128xf32, #tpu.memory_space<vmem>>, vector<648x128xf32>,
    return
  }
  func.func @transform_0(%arg0: i32) -> (i32, i32) {
    %c0_i32 = arith.constant 0 : i32
    %c0_i32_0 = arith.constant 0 : i32
    return %arg0, %c0_i32 : i32, i32
  }
  func.func @transform_1(%arg0: i32) -> (i32, i32) {
    %c0_i32 = arith.constant 0 : i32
    %c0_i32_0 = arith.constant 0 : i32
    %c0_i32_1 = arith.constant 0 : i32
    return %c0_i32, %c0_i32_0 : i32, i32
  }
  func.func @transform_2(%arg0: i32) -> (i32, i32) {
    %c0_i32 = arith.constant 0 : i32
    %c0_i32_0 = arith.constant 0 : i32
    %c0_i32_1 = arith.constant 0 : i32
    return %c0_i32, %c0_i32_0 : i32, i32
  }
  func.func @transform_3(%arg0: i32) -> (i32, i32) {
    %c0_i32 = arith.constant 0 : i32
    %c0_i32_0 = arith.constant 0 : i32
    %c0_i32_1 = arith.constant 0 : i32
    return %c0_i32, %c0_i32_0 : i32, i32
  }
  func.func @transform_4(%arg0: i32) -> (i32, i32) {
    %c0_i32 = arith.constant 0 : i32
    %c0_i32_0 = arith.constant 0 : i32
    %c0_i32_1 = arith.constant 0 : i32
    return %c0_i32, %c0_i32_0 : i32, i32
  }
  func.func @transform_5(%arg0: i32) -> (i32, i32) {
    %c0_i32 = arith.constant 0 : i32
    %c0_i32_0 = arith.constant 0 : i32
    return %arg0, %c0_i32 : i32, i32
  }
  func.func @transform_6(%arg0: i32) -> (i32, i32) {
    %c0_i32 = arith.constant 0 : i32
    %c0_i32_0 = arith.constant 0 : i32
    %c0_i32_1 = arith.constant 0 : i32
    return %c0_i32, %c0_i32_0 : i32, i32
  }
  func.func @transform_7(%arg0: i32) -> (i32, i32) {
    %c0_i32 = arith.constant 0 : i32
    %c0_i32_0 = arith.constant 0 : i32
    %c0_i32_1 = arith.constant 0 : i32
    return %c0_i32, %c0_i32_0 : i32, i32
  }
  func.func @transform_8(%arg0: i32) -> (i32, i32) {
    %c0_i32 = arith.constant 0 : i32
    %c0_i32_0 = arith.constant 0 : i32
    %c0_i32_1 = arith.constant 0 : i32
    return %c0_i32, %c0_i32_0 : i32, i32
  }
  func.func @transform_9(%arg0: i32) -> (i32, i32) {
    %c0_i32 = arith.constant 0 : i32
    %c0_i32_0 = arith.constant 0 : i32
    return %arg0, %c0_i32 : i32, i32
  }
  func.func @transform_10(%arg0: i32) -> (i32, i32) {
    %c0_i32 = arith.constant 0 : i32
    %c0_i32_0 = arith.constant 0 : i32
    return %arg0, %c0_i32 : i32, i32
  }
  func.func @transform_11(%arg0: i32) -> (i32, i32) {
    %c0_i32 = arith.constant 0 : i32
    %c0_i32_0 = arith.constant 0 : i32
    return %arg0, %c0_i32 : i32, i32
  }
}

module attributes {stable_mosaic.version = 14 : i64} {
  func.func @_bias_body(%arg0: i32, %arg1: memref<648x128xf32, #tpu.memory_space<vmem>>, %arg2: memref<648x128xf32, #tpu.memory_space<vmem>>, %arg3: memref<1x384xf32, #tpu.memory_space<vmem>>, %arg4: memref<1x384xf32, #tpu.memory_space<vmem>>, %arg5: memref<648x384xf32, #tpu.memory_space<vmem>>) attributes {dimension_semantics = [#tpu.dimension_semantics<arbitrary>], iteration_bounds = array<i64: 8>, scalar_prefetch = 0 : i64, scratch_operands = 0 : i64, tpu.core_type = #tpu.core_type<tc>, window_params = [{transform_indices = @transform_0, window_bounds = array<i64: 648, 128>}, {transform_indices = @transform_1, window_bounds = array<i64: 648, 128>}, {pipeline_mode = #tpu.pipeline_mode<synchronous>, transform_indices = @transform_2, window_bounds = array<i64: 1, 384>}, {pipeline_mode = #tpu.pipeline_mode<synchronous>, transform_indices = @transform_3, window_bounds = array<i64: 1, 384>}, {transform_indices = @transform_4, window_bounds = array<i64: 648, 384>}]} {
    %get3A = arith.constant 0 : index
    %get3A_0 = arith.constant 0 : index
    %get3A_1 = vector.load %arg1[%get3A, %get3A_0] : memref<648x128xf32, #tpu.memory_space<vmem>>, vector<648x1xf32>
    %get3A_2 = arith.constant 0 : index
    %get3A_3 = arith.constant 0 : index
    %get3A_4 = vector.load %arg2[%get3A_2, %get3A_3] : memref<648x128xf32, #tpu.memory_space<vmem>>, vector<648x1xf32>
    %add3A = arith.addf %get3A_1, %get3A_4 : vector<648x1xf32>
    %get3A_5 = arith.constant 0 : index
    %get3A_6 = arith.constant 0 : index
    %get3A_7 = vector.load %arg3[%get3A_5, %get3A_6] : memref<1x384xf32, #tpu.memory_space<vmem>>, vector<1x384xf32>
    %mul3A = vector.broadcast %add3A : vector<648x1xf32> to vector<648x384xf32>
    %mul3A_8 = vector.broadcast %get3A_7 : vector<1x384xf32> to vector<648x384xf32>
    %mul3A_9 = arith.mulf %mul3A, %mul3A_8 : vector<648x384xf32>
    %get3A_10 = arith.constant 0 : index
    %get3A_11 = arith.constant 0 : index
    %get3A_12 = vector.load %arg4[%get3A_10, %get3A_11] : memref<1x384xf32, #tpu.memory_space<vmem>>, vector<1x384xf32>
    %add3A_13 = vector.broadcast %get3A_12 : vector<1x384xf32> to vector<648x384xf32>
    %add3A_14 = arith.addf %mul3A_9, %add3A_13 : vector<648x384xf32>
    %swap3A = arith.constant 0 : index
    %swap3A_15 = arith.constant 0 : index
    %swap3A_16 = vector.load %arg5[%swap3A, %swap3A_15] : memref<648x384xf32, #tpu.memory_space<vmem>>, vector<648x384xf32>
    tpu.vector_store %arg5[%swap3A, %swap3A_15], %add3A_14 {strides = array<i32>} : memref<648x384xf32, #tpu.memory_space<vmem>>, vector<648x384xf32>,
    return
  }
  func.func @transform_0(%arg0: i32) -> (i32, i32) {
    %c0_i32 = arith.constant 0 : i32
    %c0_i32_0 = arith.constant 0 : i32
    return %arg0, %c0_i32 : i32, i32
  }
  func.func @transform_1(%arg0: i32) -> (i32, i32) {
    %c0_i32 = arith.constant 0 : i32
    %c0_i32_0 = arith.constant 0 : i32
    return %arg0, %c0_i32 : i32, i32
  }
  func.func @transform_2(%arg0: i32) -> (i32, i32) {
    %c0_i32 = arith.constant 0 : i32
    %c0_i32_0 = arith.constant 0 : i32
    %c0_i32_1 = arith.constant 0 : i32
    return %c0_i32, %c0_i32_0 : i32, i32
  }
  func.func @transform_3(%arg0: i32) -> (i32, i32) {
    %c0_i32 = arith.constant 0 : i32
    %c0_i32_0 = arith.constant 0 : i32
    %c0_i32_1 = arith.constant 0 : i32
    return %c0_i32, %c0_i32_0 : i32, i32
  }
  func.func @transform_4(%arg0: i32) -> (i32, i32) {
    %c0_i32 = arith.constant 0 : i32
    %c0_i32_0 = arith.constant 0 : i32
    return %arg0, %c0_i32 : i32, i32
  }
}

module attributes {stable_mosaic.version = 14 : i64} {
  func.func @_step_body(%arg0: i32, %arg1: memref<648x128xf32, #tpu.memory_space<vmem>>, %arg2: memref<648x128xf32, #tpu.memory_space<vmem>>, %arg3: memref<648x128xf32, #tpu.memory_space<vmem>>, %arg4: memref<128x384xf32, #tpu.memory_space<vmem>>, %arg5: memref<128x384xf32, #tpu.memory_space<vmem>>, %arg6: memref<648x384xf32, #tpu.memory_space<vmem>>, %arg7: memref<1x384xf32, #tpu.memory_space<vmem>>, %arg8: memref<1x128xf32, #tpu.memory_space<vmem>>, %arg9: memref<1x128xf32, #tpu.memory_space<vmem>>, %arg10: memref<128x16xf32, #tpu.memory_space<vmem>>, %arg11: memref<1x16xf32, #tpu.memory_space<vmem>>, %arg12: memref<128x128xf32, #tpu.memory_space<vmem>>, %arg13: memref<128x128xf32, #tpu.memory_space<vmem>>, %arg14: memref<1x128xf32, #tpu.memory_space<vmem>>, %arg15: memref<648x128xf32, #tpu.memory_space<vmem>>, %arg16: memref<648x16xf32, #tpu.memory_space<vmem>>, %arg17: memref<648x128xf32, #tpu.memory_space<vmem>>, %arg18: memref<648x128xf32, #tpu.memory_space<vmem>>) attributes {dimension_semantics = [#tpu.dimension_semantics<arbitrary>], iteration_bounds = array<i64: 8>, scalar_prefetch = 0 : i64, scratch_operands = 0 : i64, tpu.core_type = #tpu.core_type<tc>, window_params = [{transform_indices = @transform_0, window_bounds = array<i64: 648, 128>}, {transform_indices = @transform_1, window_bounds = array<i64: 648, 128>}, {transform_indices = @transform_2, window_bounds = array<i64: 648, 128>}, {pipeline_mode = #tpu.pipeline_mode<synchronous>, transform_indices = @transform_3, window_bounds = array<i64: 128, 384>}, {pipeline_mode = #tpu.pipeline_mode<synchronous>, transform_indices = @transform_4, window_bounds = array<i64: 128, 384>}, {transform_indices = @transform_5, window_bounds = array<i64: 648, 384>}, {pipeline_mode = #tpu.pipeline_mode<synchronous>, transform_indices = @transform_6, window_bounds = array<i64: 1, 384>}, {pipeline_mode = #tpu.pipeline_mode<synchronous>, transform_indices = @transform_7, window_bounds = array<i64: 1, 128>}, {pipeline_mode = #tpu.pipeline_mode<synchronous>, transform_indices = @transform_8, window_bounds = array<i64: 1, 128>}, {pipeline_mode = #tpu.pipeline_mode<synchronous>, transform_indices = @transform_9, window_bounds = array<i64: 128, 16>}, {pipeline_mode = #tpu.pipeline_mode<synchronous>, transform_indices = @transform_10, window_bounds = array<i64: 1, 16>}, {pipeline_mode = #tpu.pipeline_mode<synchronous>, transform_indices = @transform_11, window_bounds = array<i64: 128, 128>}, {pipeline_mode = #tpu.pipeline_mode<synchronous>, transform_indices = @transform_12, window_bounds = array<i64: 128, 128>}, {pipeline_mode = #tpu.pipeline_mode<synchronous>, transform_indices = @transform_13, window_bounds = array<i64: 1, 128>}, {transform_indices = @transform_14, window_bounds = array<i64: 648, 128>}, {transform_indices = @transform_15, window_bounds = array<i64: 648, 16>}, {transform_indices = @transform_16, window_bounds = array<i64: 648, 128>}, {transform_indices = @transform_17, window_bounds = array<i64: 648, 128>}]} {
    %get3A = arith.constant 0 : index
    %get3A_0 = arith.constant 0 : index
    %get3A_1 = vector.load %arg3[%get3A, %get3A_0] : memref<648x128xf32, #tpu.memory_space<vmem>>, vector<648x128xf32>
    %get3A_2 = arith.constant 0 : index
    %get3A_3 = arith.constant 0 : index
    %get3A_4 = vector.load %arg1[%get3A_2, %get3A_3] : memref<648x128xf32, #tpu.memory_space<vmem>>, vector<648x128xf32>
    %get3A_5 = arith.constant 0 : index
    %get3A_6 = arith.constant 0 : index
    %get3A_7 = vector.load %arg2[%get3A_5, %get3A_6] : memref<648x128xf32, #tpu.memory_space<vmem>>, vector<648x128xf32>
    %add3A = arith.addf %get3A_4, %get3A_7 : vector<648x128xf32>
    %get3A_8 = arith.constant 0 : index
    %get3A_9 = arith.constant 0 : index
    %get3A_10 = vector.load %arg4[%get3A_8, %get3A_9] : memref<128x384xf32, #tpu.memory_space<vmem>>, vector<128x384xf32>
    %dot_general3A = arith.constant dense<0.000000e+00> : vector<648x384xf32>
    %dot_general3A_11 = tpu.matmul %add3A, %get3A_10, %dot_general3A {dimension_numbers = #tpu.dot_dimension_numbers<[1], [0], [0], [1], [0, 0, 1, 1], [], []>, transpose_lhs_hint = false} : vector<648x128xf32>, vector<128x384xf32>, vector<648x384xf32> -> vector<648x384xf32>
    %get3A_12 = arith.constant 0 : index
    %get3A_13 = arith.constant 0 : index
    %get3A_14 = vector.load %arg6[%get3A_12, %get3A_13] : memref<648x384xf32, #tpu.memory_space<vmem>>, vector<648x384xf32>
    %add3A_15 = arith.addf %dot_general3A_11, %get3A_14 : vector<648x384xf32>
    %get3A_16 = arith.constant 0 : index
    %get3A_17 = arith.constant 0 : index
    %get3A_18 = vector.load %arg5[%get3A_16, %get3A_17] : memref<128x384xf32, #tpu.memory_space<vmem>>, vector<128x384xf32>
    %dot_general3A_19 = arith.constant dense<0.000000e+00> : vector<648x384xf32>
    %dot_general3A_20 = tpu.matmul %get3A_1, %get3A_18, %dot_general3A_19 {dimension_numbers = #tpu.dot_dimension_numbers<[1], [0], [0], [1], [0, 0, 1, 1], [], []>, transpose_lhs_hint = false} : vector<648x128xf32>, vector<128x384xf32>, vector<648x384xf32> -> vector<648x384xf32>
    %get3A_21 = arith.constant 0 : index
    %get3A_22 = arith.constant 0 : index
    %get3A_23 = vector.load %arg7[%get3A_21, %get3A_22] : memref<1x384xf32, #tpu.memory_space<vmem>>, vector<1x384xf32>
    %add3A_24 = vector.broadcast %get3A_23 : vector<1x384xf32> to vector<648x384xf32>
    %add3A_25 = arith.addf %dot_general3A_20, %add3A_24 : vector<648x384xf32>
    %slice3A = vector.extract_strided_slice %add3A_15 {offsets = [0, 0], sizes = [648, 128], strides = [1, 1]} : vector<648x384xf32> to vector<648x128xf32>
    %slice3A_26 = vector.extract_strided_slice %add3A_15 {offsets = [0, 128], sizes = [648, 128], strides = [1, 1]} : vector<648x384xf32> to vector<648x128xf32>
    %slice3A_27 = vector.extract_strided_slice %add3A_15 {offsets = [0, 256], sizes = [648, 128], strides = [1, 1]} : vector<648x384xf32> to vector<648x128xf32>
    %slice3A_28 = vector.extract_strided_slice %add3A_25 {offsets = [0, 0], sizes = [648, 128], strides = [1, 1]} : vector<648x384xf32> to vector<648x128xf32>
    %slice3A_29 = vector.extract_strided_slice %add3A_25 {offsets = [0, 128], sizes = [648, 128], strides = [1, 1]} : vector<648x384xf32> to vector<648x128xf32>
    %slice3A_30 = vector.extract_strided_slice %add3A_25 {offsets = [0, 256], sizes = [648, 128], strides = [1, 1]} : vector<648x384xf32> to vector<648x128xf32>
    %add3A_31 = arith.addf %slice3A, %slice3A_28 : vector<648x128xf32>
    %logistic3A = arith.negf %add3A_31 : vector<648x128xf32>
    %logistic3A_32 = math.exp %logistic3A : vector<648x128xf32>
    %logistic3A_33 = arith.constant 1.000000e+00 : f32
    %logistic3A_34 = vector.broadcast %logistic3A_33 : f32 to vector<648x128xf32>
    %logistic3A_35 = arith.addf %logistic3A_34, %logistic3A_32 : vector<648x128xf32>
    %logistic3A_36 = arith.divf %logistic3A_34, %logistic3A_35 : vector<648x128xf32>
    %add3A_37 = arith.addf %slice3A_26, %slice3A_29 : vector<648x128xf32>
    %logistic3A_38 = arith.negf %add3A_37 : vector<648x128xf32>
    %logistic3A_39 = math.exp %logistic3A_38 : vector<648x128xf32>
    %logistic3A_40 = arith.constant 1.000000e+00 : f32
    %logistic3A_41 = vector.broadcast %logistic3A_40 : f32 to vector<648x128xf32>
    %logistic3A_42 = arith.addf %logistic3A_41, %logistic3A_39 : vector<648x128xf32>
    %logistic3A_43 = arith.divf %logistic3A_41, %logistic3A_42 : vector<648x128xf32>
    %mul3A = arith.mulf %logistic3A_36, %slice3A_30 : vector<648x128xf32>
    %add3A_44 = arith.addf %slice3A_27, %mul3A : vector<648x128xf32>
    %tanh3A = math.tanh %add3A_44 : vector<648x128xf32>
    %sub3A = arith.constant 1.000000e+00 : f32
    %sub3A_45 = vector.broadcast %sub3A : f32 to vector<648x128xf32>
    %sub3A_46 = arith.subf %sub3A_45, %logistic3A_43 : vector<648x128xf32>
    %mul3A_47 = arith.mulf %sub3A_46, %tanh3A : vector<648x128xf32>
    %mul3A_48 = arith.mulf %logistic3A_43, %get3A_1 : vector<648x128xf32>
    %add3A_49 = arith.addf %mul3A_47, %mul3A_48 : vector<648x128xf32>
    %reduce_sum3A = arith.constant dense<0.000000e+00> : vector<648xf32>
    %reduce_sum3A_50 = vector.multi_reduction <add>, %add3A_49, %reduce_sum3A [1] : vector<648x128xf32> to vector<648xf32>
    %broadcast_in_dim3A = vector.shape_cast %reduce_sum3A_50 : vector<648xf32> to vector<648x1xf32>
    %div3A = arith.constant 1.280000e+02 : f32
    %div3A_51 = vector.broadcast %div3A : f32 to vector<648x1xf32>
    %div3A_52 = arith.divf %broadcast_in_dim3A, %div3A_51 : vector<648x1xf32>
    %sub3A_53 = vector.broadcast %div3A_52 : vector<648x1xf32> to vector<648x128xf32>
    %sub3A_54 = arith.subf %add3A_49, %sub3A_53 : vector<648x128xf32>
    %integer_pow3A = arith.mulf %sub3A_54, %sub3A_54 : vector<648x128xf32>
    %reduce_sum3A_55 = arith.constant dense<0.000000e+00> : vector<648xf32>
    %reduce_sum3A_56 = vector.multi_reduction <add>, %integer_pow3A, %reduce_sum3A_55 [1] : vector<648x128xf32> to vector<648xf32>
    %broadcast_in_dim3A_57 = vector.shape_cast %reduce_sum3A_56 : vector<648xf32> to vector<648x1xf32>
    %div3A_58 = arith.constant 1.280000e+02 : f32
    %div3A_59 = vector.broadcast %div3A_58 : f32 to vector<648x1xf32>
    %div3A_60 = arith.divf %broadcast_in_dim3A_57, %div3A_59 : vector<648x1xf32>
    %sub3A_61 = vector.broadcast %div3A_52 : vector<648x1xf32> to vector<648x128xf32>
    %sub3A_62 = arith.subf %add3A_49, %sub3A_61 : vector<648x128xf32>
    %add3A_63 = arith.constant 9.99999974E-6 : f32
    %add3A_64 = vector.broadcast %add3A_63 : f32 to vector<648x1xf32>
    %add3A_65 = arith.addf %div3A_60, %add3A_64 : vector<648x1xf32>
    %sqrt3A = math.sqrt %add3A_65 : vector<648x1xf32>
    %div3A_66 = vector.broadcast %sqrt3A : vector<648x1xf32> to vector<648x128xf32>
    %div3A_67 = arith.divf %sub3A_62, %div3A_66 : vector<648x128xf32>
    %get3A_68 = arith.constant 0 : index
    %get3A_69 = arith.constant 0 : index
    %get3A_70 = vector.load %arg8[%get3A_68, %get3A_69] : memref<1x128xf32, #tpu.memory_space<vmem>>, vector<1x128xf32>
    %mul3A_71 = vector.broadcast %get3A_70 : vector<1x128xf32> to vector<648x128xf32>
    %mul3A_72 = arith.mulf %div3A_67, %mul3A_71 : vector<648x128xf32>
    %get3A_73 = arith.constant 0 : index
    %get3A_74 = arith.constant 0 : index
    %get3A_75 = vector.load %arg9[%get3A_73, %get3A_74] : memref<1x128xf32, #tpu.memory_space<vmem>>, vector<1x128xf32>
    %add3A_76 = vector.broadcast %get3A_75 : vector<1x128xf32> to vector<648x128xf32>
    %add3A_77 = arith.addf %mul3A_72, %add3A_76 : vector<648x128xf32>
    %swap3A = arith.constant 0 : index
    %swap3A_78 = arith.constant 0 : index
    %swap3A_79 = vector.load %arg15[%swap3A, %swap3A_78] : memref<648x128xf32, #tpu.memory_space<vmem>>, vector<648x128xf32>
    tpu.vector_store %arg15[%swap3A, %swap3A_78], %add3A_77 {strides = array<i32>} : memref<648x128xf32, #tpu.memory_space<vmem>>, vector<648x128xf32>,
    %get3A_80 = arith.constant 0 : index
    %get3A_81 = arith.constant 0 : index
    %get3A_82 = vector.load %arg10[%get3A_80, %get3A_81] : memref<128x16xf32, #tpu.memory_space<vmem>>, vector<128x16xf32>
    %dot_general3A_83 = arith.constant dense<0.000000e+00> : vector<648x16xf32>
    %dot_general3A_84 = tpu.matmul %add3A_77, %get3A_82, %dot_general3A_83 {dimension_numbers = #tpu.dot_dimension_numbers<[1], [0], [0], [1], [0, 0, 1, 1], [], []>, transpose_lhs_hint = false} : vector<648x128xf32>, vector<128x16xf32>, vector<648x16xf32> -> vector<648x16xf32>
    %get3A_85 = arith.constant 0 : index
    %get3A_86 = arith.constant 0 : index
    %get3A_87 = vector.load %arg11[%get3A_85, %get3A_86] : memref<1x16xf32, #tpu.memory_space<vmem>>, vector<1x16xf32>
    %add3A_88 = vector.broadcast %get3A_87 : vector<1x16xf32> to vector<648x16xf32>
    %add3A_89 = arith.addf %dot_general3A_84, %add3A_88 : vector<648x16xf32>
    %swap3A_90 = arith.constant 0 : index
    %swap3A_91 = arith.constant 0 : index
    %swap3A_92 = vector.load %arg16[%swap3A_90, %swap3A_91] : memref<648x16xf32, #tpu.memory_space<vmem>>, vector<648x16xf32>
    tpu.vector_store %arg16[%swap3A_90, %swap3A_91], %add3A_89 {strides = array<i32>} : memref<648x16xf32, #tpu.memory_space<vmem>>, vector<648x16xf32>,
    %get3A_93 = arith.constant 0 : index
    %get3A_94 = arith.constant 0 : index
    %get3A_95 = vector.load %arg12[%get3A_93, %get3A_94] : memref<128x128xf32, #tpu.memory_space<vmem>>, vector<128x128xf32>
    %dot_general3A_96 = arith.constant dense<0.000000e+00> : vector<648x128xf32>
    %dot_general3A_97 = tpu.matmul %add3A_77, %get3A_95, %dot_general3A_96 {dimension_numbers = #tpu.dot_dimension_numbers<[1], [0], [0], [1], [0, 0, 1, 1], [], []>, transpose_lhs_hint = false} : vector<648x128xf32>, vector<128x128xf32>, vector<648x128xf32> -> vector<648x128xf32>
    %get3A_98 = arith.constant 0 : index
    %get3A_99 = arith.constant 0 : index
    %get3A_100 = vector.load %arg14[%get3A_98, %get3A_99] : memref<1x128xf32, #tpu.memory_space<vmem>>, vector<1x128xf32>
    %add3A_101 = vector.broadcast %get3A_100 : vector<1x128xf32> to vector<648x128xf32>
    %add3A_102 = arith.addf %dot_general3A_97, %add3A_101 : vector<648x128xf32>
    %swap3A_103 = arith.constant 0 : index
    %swap3A_104 = arith.constant 0 : index
    %swap3A_105 = vector.load %arg17[%swap3A_103, %swap3A_104] : memref<648x128xf32, #tpu.memory_space<vmem>>, vector<648x128xf32>
    tpu.vector_store %arg17[%swap3A_103, %swap3A_104], %add3A_102 {strides = array<i32>} : memref<648x128xf32, #tpu.memory_space<vmem>>, vector<648x128xf32>,
    %get3A_106 = arith.constant 0 : index
    %get3A_107 = arith.constant 0 : index
    %get3A_108 = vector.load %arg13[%get3A_106, %get3A_107] : memref<128x128xf32, #tpu.memory_space<vmem>>, vector<128x128xf32>
    %dot_general3A_109 = arith.constant dense<0.000000e+00> : vector<648x128xf32>
    %dot_general3A_110 = tpu.matmul %add3A_77, %get3A_108, %dot_general3A_109 {dimension_numbers = #tpu.dot_dimension_numbers<[1], [0], [0], [1], [0, 0, 1, 1], [], []>, transpose_lhs_hint = false} : vector<648x128xf32>, vector<128x128xf32>, vector<648x128xf32> -> vector<648x128xf32>
    %swap3A_111 = arith.constant 0 : index
    %swap3A_112 = arith.constant 0 : index
    %swap3A_113 = vector.load %arg18[%swap3A_111, %swap3A_112] : memref<648x128xf32, #tpu.memory_space<vmem>>, vector<648x128xf32>
    tpu.vector_store %arg18[%swap3A_111, %swap3A_112], %dot_general3A_110 {strides = array<i32>} : memref<648x128xf32, #tpu.memory_space<vmem>>, vector<648x128xf32>,
    return
  }
  func.func @transform_0(%arg0: i32) -> (i32, i32) {
    %c0_i32 = arith.constant 0 : i32
    %c0_i32_0 = arith.constant 0 : i32
    return %arg0, %c0_i32 : i32, i32
  }
  func.func @transform_1(%arg0: i32) -> (i32, i32) {
    %c0_i32 = arith.constant 0 : i32
    %c0_i32_0 = arith.constant 0 : i32
    return %arg0, %c0_i32 : i32, i32
  }
  func.func @transform_2(%arg0: i32) -> (i32, i32) {
    %c0_i32 = arith.constant 0 : i32
    %c0_i32_0 = arith.constant 0 : i32
    return %arg0, %c0_i32 : i32, i32
  }
  func.func @transform_3(%arg0: i32) -> (i32, i32) {
    %c0_i32 = arith.constant 0 : i32
    %c0_i32_0 = arith.constant 0 : i32
    %c0_i32_1 = arith.constant 0 : i32
    return %c0_i32, %c0_i32_0 : i32, i32
  }
  func.func @transform_4(%arg0: i32) -> (i32, i32) {
    %c0_i32 = arith.constant 0 : i32
    %c0_i32_0 = arith.constant 0 : i32
    %c0_i32_1 = arith.constant 0 : i32
    return %c0_i32, %c0_i32_0 : i32, i32
  }
  func.func @transform_5(%arg0: i32) -> (i32, i32) {
    %c0_i32 = arith.constant 0 : i32
    %c0_i32_0 = arith.constant 0 : i32
    return %arg0, %c0_i32 : i32, i32
  }
  func.func @transform_6(%arg0: i32) -> (i32, i32) {
    %c0_i32 = arith.constant 0 : i32
    %c0_i32_0 = arith.constant 0 : i32
    %c0_i32_1 = arith.constant 0 : i32
    return %c0_i32, %c0_i32_0 : i32, i32
  }
  func.func @transform_7(%arg0: i32) -> (i32, i32) {
    %c0_i32 = arith.constant 0 : i32
    %c0_i32_0 = arith.constant 0 : i32
    %c0_i32_1 = arith.constant 0 : i32
    return %c0_i32, %c0_i32_0 : i32, i32
  }
  func.func @transform_8(%arg0: i32) -> (i32, i32) {
    %c0_i32 = arith.constant 0 : i32
    %c0_i32_0 = arith.constant 0 : i32
    %c0_i32_1 = arith.constant 0 : i32
    return %c0_i32, %c0_i32_0 : i32, i32
  }
  func.func @transform_9(%arg0: i32) -> (i32, i32) {
    %c0_i32 = arith.constant 0 : i32
    %c0_i32_0 = arith.constant 0 : i32
    %c0_i32_1 = arith.constant 0 : i32
    return %c0_i32, %c0_i32_0 : i32, i32
  }
  func.func @transform_10(%arg0: i32) -> (i32, i32) {
    %c0_i32 = arith.constant 0 : i32
    %c0_i32_0 = arith.constant 0 : i32
    %c0_i32_1 = arith.constant 0 : i32
    return %c0_i32, %c0_i32_0 : i32, i32
  }
  func.func @transform_11(%arg0: i32) -> (i32, i32) {
    %c0_i32 = arith.constant 0 : i32
    %c0_i32_0 = arith.constant 0 : i32
    %c0_i32_1 = arith.constant 0 : i32
    return %c0_i32, %c0_i32_0 : i32, i32
  }
  func.func @transform_12(%arg0: i32) -> (i32, i32) {
    %c0_i32 = arith.constant 0 : i32
    %c0_i32_0 = arith.constant 0 : i32
    %c0_i32_1 = arith.constant 0 : i32
    return %c0_i32, %c0_i32_0 : i32, i32
  }
  func.func @transform_13(%arg0: i32) -> (i32, i32) {
    %c0_i32 = arith.constant 0 : i32
    %c0_i32_0 = arith.constant 0 : i32
    %c0_i32_1 = arith.constant 0 : i32
    return %c0_i32, %c0_i32_0 : i32, i32
  }
  func.func @transform_14(%arg0: i32) -> (i32, i32) {
    %c0_i32 = arith.constant 0 : i32
    %c0_i32_0 = arith.constant 0 : i32
    return %arg0, %c0_i32 : i32, i32
  }
  func.func @transform_15(%arg0: i32) -> (i32, i32) {
    %c0_i32 = arith.constant 0 : i32
    %c0_i32_0 = arith.constant 0 : i32
    return %arg0, %c0_i32 : i32, i32
  }
  func.func @transform_16(%arg0: i32) -> (i32, i32) {
    %c0_i32 = arith.constant 0 : i32
    %c0_i32_0 = arith.constant 0 : i32
    return %arg0, %c0_i32 : i32, i32
  }
  func.func @transform_17(%arg0: i32) -> (i32, i32) {
    %c0_i32 = arith.constant 0 : i32
    %c0_i32_0 = arith.constant 0 : i32
    return %arg0, %c0_i32 : i32, i32
  }
}

</mosaic_0001>

<sc_bundles>
// kernel: closed_call.18.cloned.1.call-start
scs
__scs_entry_jumppad:
0x0: {  	(pc) =	sbr.rel $0x88, $3  }
0x1: {  	(tag) =	ssettag $0x0;
	lr =	simm.s32 $0x1  }
0x2: {  	[smem:$0x3F8E] =	sst lr;
	_ =	strace $0xD0000000  }
0x3: {  	_ = 	snop  }
0x4: {  	_ = 	snop  }
0x5: {  	_ = 	snop  }
0x6: {  	_ = 	snop  }
0x7: {  	_ = 	snop  }
__scs_overlays_trampoline_lowered:
0x8: {  	[smem:$0x3F9D] =	sst s0  }
0x9: {  	[smem:$0x3F9E] =	sst s1  }
0xa: {  	[smem:$0x3F9F] =	sst s2  }
0xb: {  	[smem:$0x3FA0] =	sst s3  }
0xc: {  	[smem:$0x3FA1] =	sst s4  }
0xd: {  	[smem:$0x3FA2] =	sst s5  }
0xe: {  	[smem:$0x3FA3] =	sst s6  }
0xf: {  	[smem:$0x3FA4] =	sst s7  }
0x10: {  	[smem:$0x3FA5] =	sst s8  }
0x11: {  	[smem:$0x3FA6] =	sst s9;
	s0 =	simm.s32 @!p0 $0x0  }
0x12: {  	s1 =	sld [smem:$0x3F8C];
	s0 =	simm.s32 @p0 $0x1  }
0x13: {  	[smem:$0x3FA7] =	sst s0;
	s0 =	simm.s32 @!p1 $0x0  }
0x14: {  	s2 =	sld [smem:$0x3F8B];
	s0 =	simm.s32 @p1 $0x1  }
0x15: {  	[smem:$0x3FA8] =	sst s0;
	s0 =	simm.s32 @!p2 $0x0  }
0x16: {  	s3 =	sld [smem:$0x3FDB];
	s0 =	simm.s32 @p2 $0x1  }
0x17: {  	s4 =	simm.s32 $0x1BF5;
	[smem:$0x3FAA] =	sst s0  }
0x18: {  	s0 =	sld [smem:$0x3F8D];
	_ =	swait.ge [sflag:s4], $0x0  }
0x19: {  	s7 =	sld [smem:$0x3F8E]  }
0x1a: {  	s8 =	sadd.s32 $0xFFFFE003, lr  }
0x1b: {  	s9 =	sadd.s32 $0xFFFFFEF7, lr;
	s5 =	simm.s32 $0xFFFFFFFF;
	p2 =	slt.u32 s8, $0xFFFFF086  }
0x1c: {  	p1 =	slt.u32 s9, $0xF7A;
	s5 =	simm.s32 @!p2 $0x0  }
0x1d: {  	s5 =	simm.s32 @p1 $0x1;
	p0 =	seq.s32 s7, s2  }
0x1e: {  	s7 =	smul.u32 @!p0 $0xF7A, s2;
	p2 =	seq.s32 @!p0 s5, $0x0  }
0x1f: {  	s9 =	smul.u32 $0xF7A, s1;
	s8 =	simm.s32 @!p0 $0x1BF5;
	p2 =	por !p2, p0  }
0x20: {  	[sflag:s8] =	ssyncset.s32 @!p0 $0xFFFFF086;
	s6 =	sadd.s32 @!p0 s3, s7;
	s7 =	simm.s32 @!p0 $0x108  }
0x21: {  	s3 =	sadd.s32 s3, s9;
	s6 =	sadd.s32 @!p0 $0x88, s6;
	s7 =	simm.s32 @p2 $0x1082  }
0x22: {  	[simem:s7], [sflag:s8] =	dma.local @!p0 [hbm:s6], $0xF7A  }
0x23: {  	s9 =	sor.u32 $0xD0000000, s2;
	s6 =	simm.s32 $0x108;
	_ =	swait.ge @!p0 [sflag:s8], $0x0  }
0x24: {  	s3 =	sadd.s32 $0x88, s3;
	s6 =	simm.s32 @!p1 $0x1082;
	[sflag:s4] =	ssyncset.s32 $0xFFFFF086  }
0x25: {  	[simem:s6], [sflag:s4] =	dma.local [hbm:s3], $0xF7A  }
0x26: {  	[smem:$0x3F8E] =	sst s1;
	(tag) =	ssettag s2;
	_ =	strace s9  }
0x27: {  	s1 =	sld [smem:$0x3F9E]  }
0x28: {  	s2 =	sld [smem:$0x3F9F]  }
0x29: {  	s4 =	sld [smem:$0x3FA1]  }
0x2a: {  	p0 =	seq.s32 s5, $0x0;
	s5 =	sld [smem:$0x3FA2]  }
0x2b: {  	s6 =	sld [smem:$0x3FA3]  }
0x2c: {  	s7 =	sld [smem:$0x3FA4]  }
0x2d: {  	s3 =	simm.s32 $0x108;
	s8 =	sld [smem:$0x3FA5]  }
0x2e: {  	s3 =	simm.s32 @!p0 $0x1082;
	s9 =	sld [smem:$0x3FA6]  }
0x2f: {  	lr =	sadd.s32 s0, s3;
	s0 =	sld [smem:$0x3F9D]  }
0x30: {  	s3 =	sld [smem:$0x3FA0]  }
0x31: {  	[smem:$0x3FA9] =	sst s10  }
0x32: {  	s10 =	sld [smem:$0x3FA7];
	_ =	sdelay $0x3  }
0x33: {  	p0 =	seq.s32 s10, $0x1;
	s10 =	sld [smem:$0x3FA9];
	_ =	sdelay $0x3  }
0x34: {  	[smem:$0x3FA9] =	sst s10  }
0x35: {  	s10 =	sld [smem:$0x3FA8];
	_ =	sdelay $0x3  }
0x36: {  	p1 =	seq.s32 s10, $0x1;
	s10 =	sld [smem:$0x3FA9];
	_ =	sdelay $0x3  }
0x37: {  	[smem:$0x3FA9] =	sst s10  }
0x38: {  	s10 =	sld [smem:$0x3FAA]  }
0x39: {  	_ = 	snop;
	(pc) =	sbr.ind lr, $3  }
0x3a: {  	_ = 	snop  }
0x3b: {  	_ = 	snop  }
0x3c: {  	p2 =	seq.s32 s10, $0x1;
	s10 =	sld [smem:$0x3FA9]  }
0x3d: {  	_ =	shalt  }
0x3e: {  	_ =	shalt  }
0x3f: {  	_ =	shalt  }
0x40: {  	_ =	shalt  }
0x41: {  	_ =	shalt  }
0x42: {  	_ =	shalt  }
0x43: {  	_ =	shalt  }
0x44: {  	_ =	shalt  }
0x45: {  	_ =	shalt  }
0x46: {  	_ =	shalt  }
0x47: {  	_ =	shalt  }
0x48: {  	_ =	shalt  }
0x49: {  	_ =	shalt  }
0x4a: {  	_ =	shalt  }
0x4b: {  	_ =	shalt  }
0x4c: {  	_ =	shalt  }
0x4d: {  	_ =	shalt  }
0x4e: {  	_ =	shalt  }
0x4f: {  	_ =	shalt  }
0x50: {  	_ =	shalt  }
0x51: {  	_ =	shalt  }
0x52: {  	_ =	shalt  }
0x53: {  	_ =	shalt  }
0x54: {  	_ =	shalt  }
0x55: {  	_ =	shalt  }
0x56: {  	_ =	shalt  }
0x57: {  	_ =	shalt  }
0x58: {  	_ =	shalt  }
0x59: {  	_ =	shalt  }
0x5a: {  	_ =	shalt  }
0x5b: {  	_ =	shalt  }
0x5c: {  	_ =	shalt  }
0x5d: {  	_ =	shalt  }
0x5e: {  	_ =	shalt  }
0x5f: {  	_ =	shalt  }
0x60: {  	_ =	shalt  }
0x61: {  	_ =	shalt  }
0x62: {  	_ =	shalt  }
0x63: {  	_ =	shalt  }
0x64: {  	_ =	shalt  }
0x65: {  	_ =	shalt  }
0x66: {  	_ =	shalt  }
0x67: {  	_ =	shalt  }
0x68: {  	_ =	shalt  }
0x69: {  	_ =	shalt  }
0x6a: {  	_ =	shalt  }
0x6b: {  	_ =	shalt  }
0x6c: {  	_ =	shalt  }
0x6d: {  	_ =	shalt  }
0x6e: {  	_ =	shalt  }
0x6f: {  	_ =	shalt  }
0x70: {  	_ =	shalt  }
0x71: {  	_ =	shalt  }
0x72: {  	_ =	shalt  }
0x73: {  	_ =	shalt  }
0x74: {  	_ =	shalt  }
0x75: {  	_ =	shalt  }
0x76: {  	_ =	shalt  }
0x77: {  	_ =	shalt  }
0x78: {  	_ =	shalt  }
0x79: {  	_ =	shalt  }
0x7a: {  	_ =	shalt  }
0x7b: {  	_ =	shalt  }
0x7c: {  	_ =	shalt  }
0x7d: {  	_ =	shalt  }
0x7e: {  	_ =	shalt  }
0x7f: {  	_ =	shalt  }
0x80: {  	_ =	shalt  }
0x81: {  	_ =	shalt  }
0x82: {  	_ =	shalt  }
0x83: {  	_ =	shalt  }
0x84: {  	_ =	shalt  }
0x85: {  	_ =	shalt  }
0x86: {  	_ =	shalt  }
0x87: {  	_ =	shalt  }
.Lfunc_end0:
.L_simem_size_0:
called_computation_lowered:
.L_overlay_start_0:
0x88: {  	s2 =	sld [smem:$0x3FD9]  }
0x89: {  	s3 =	sld [smem:$0x3FFE];
	_ =	sdelay $0x1  }
0x8a: {  	s1 =	srdreg.scid  }
0x8b: {  	s0 =	sand.u32 $0x1, s1  }
0x8c: {  	s17 =	sshll.u32 s0, $0xA;
	s2 =	sadd.s32 s3, s2  }
0x8d: {  	s2 =	sadd.s32 s2, s17  }
0x8e: {  	[smem:$0x3FB5] =	sst s2  }
0x8f: {  	_ = 	snop  }
0x90: {  	s2 =	sld [smem:$0x3FD0];
	(tm) =	ssettm $0x1  }
0x91: {  	s18 =	sld [smem:$0x3FFB];
	_ =	sdelay $0x3  }
0x92: {  	_ =	strace s18  }
0x93: {  	s3 =	sld [smem:$0x3FFC];
	_ =	sdelay $0x3  }
0x94: {  	_ =	strace s3  }
0x95: {  	s3 =	sld [smem:$0x3FFD];
	_ =	sdelay $0x3  }
0x96: {  	_ =	strace s3  }
0x97: {  	_ =	strace $0x8FFFFFFF  }
0x98: {  	s19 =	sld [smem:$0x3FDB];
	_ =	sdelay $0x1  }
0x99: {  	s4 =	simm.s32 $_scs_section_size  }
0x9a: {  	s5 =	simm.s32 $_size__tile_overlayer_lowered;
	s6 =	simm.s32 $_tile_overlayer_lowered  }
0x9b: {  	s22 =	simm.s32 $0x1BFF;
	s21 =	sshll.u32 s6, $0x1;
	s3 =	sadd.s32 s4, s19  }
0x9c: {  	s7 =	simm.s32 $0x0;
	s20 =	sshll.u32 s5, $0x1;
	s5 =	sadd.s32 s21, s3  }
0x9d: {  	[timem:s7], [sflag:s22] =	dma.local [hbm:s5], s20  }
0x9e: {  	_ =	swait.ge [sflag:s22], s20  }
0x9f: {  	s4 =	ssub.s32 $0x0, s20;
	[sflag:s22] =	ssyncset.done $0x0  }
0xa0: {  	[sflag:s22] =	ssyncadd.s32 s4;
	_ =	sdelay $0x1  }
0xa1: {  	s23 =	simm.s32 $0x1B8B  }
0xa2: {  	_ =	swait.ge [sflag:s23], $0x1  }
0xa3: {  	[sflag:s23] =	ssyncset.done $0x0  }
0xa4: {  	s25 =	simm.s32 $0x1B8E;
	s24 =	sld [smem:$0x3FFE];
	[sflag:s23] =	ssyncadd.s32 $0xFFFFFFFF  }
0xa5: {  	s26 =	simm.s32 $execute0_lowered;
	[smem:$0x3FD2] =	sst s25  }
0xa6: {  	s5 =	sshll.u32 s26, $0x1;
	_ =	strace $0x80000049;
	[dreg:$0x1] =	wrdreg $0xFFFFFFFF  }
0xa7: {  	s28 =	simm.s32 $_size_execute0_lowered;
	s3 =	sadd.s32 s3, s5;
	[dreg:$0x0] =	wrdreg $0x0  }
0xa8: {  	s5 =	sshll.u32 s28, $0x1;
	[dreg:$0x2] =	wrdreg s3  }
0xa9: {  	[dreg:$0x3] =	wrdreg s5  }
0xaa: {  	[dreg:$0x4] =	wrdreg $0xC0  }
0xab: {  	_ =	task [dreg:s7], $0x5FFFF  }
0xac: {  	[dreg:$0x1] =	wrdreg $0xFFFFFFFF  }
0xad: {  	[dreg:$0x0] =	wrdreg $0x60  }
0xae: {  	[dreg:$0x2] =	wrdreg s24  }
0xaf: {  	[dreg:$0x3] =	wrdreg s2  }
0xb0: {  	[dreg:$0x4] =	wrdreg $0x11D000  }
0xb1: {  	[dreg:$0x5] =	wrdreg $0x9  }
0xb2: {  	_ =	task.clear_ibuf [dreg:s7], $0x6FFFF;
	_ =	strace $0x90000049  }
0xb3: {  	s29 =	simm.s32 $0x9;
	_ =	strace $0x8000004B  }
0xb4: {  	_ =	swait.ge [sflag:s29], $0x1  }
0xb5: {  	[sflag:s29] =	ssyncadd.s32 $0xFFFFFFFF  }
0xb6: {  	_ =	strace $0x9000004B  }
0xb7: {  	_ =	sfence  }
0xb8: {  	s30 =	sld [smem:$0x0];
	_ =	sdelay $0x2  }
0xb9: {  	s31 =	sshll.u32 s1, $0xD;
	s1 =	sshrl.u32 s1, $0x2  }
0xba: {  	s3 =	sand.u32 $0x4000, s31;
	s1 =	sadd.s32 s1, s30  }
0xbb: {  	s0 =	sor.u32 s3, s0;
	s1 =	sshll.u32 s1, $0x11  }
0xbc: {  	s0 =	sor.u32 s1, s0  }
0xbd: {  	s0 =	sadd.s32 $0x8F2B, s0  }
0xbe: {  	[sflag:s0] =	ssyncadd.remote.s32 $0x1  }
0xbf: {  	_ =	sfence.sel $0xFFFF  }
0xc0: {  	[dreg:$0x0] =	wrdreg $0xFFFFFFFF;
	(pc) =	sbr.abs _section_cstart, $3  }
0xc1: {  	[dreg:$0x1] =	wrdreg $0xFFFFFFFF  }
0xc2: {  	_ =	task.clear_ibuf [dreg:s7], $0x2FFFF;
	_ =	strace $0x9FFFFFFF  }
0xc3: {  	(tm) =	ssettm $0x7FFFFFFF  }
tec
execute0_lowered:
.L_overlay_start_1:
0x0: {  	(tag) =	ssettag $0x1  }
0x1: {  	s7 =	rddreg [dreg:$0x0]  }
0x2: {  	s10 =	rddreg [dreg:$0x1]  }
0x3: {  	s1 =	rddreg [dreg:$0x2]  }
0x4: {  	s0 =	rddreg [dreg:$0x3]  }
0x5: {  	s2 =	simm.s32 $0x0;
	s3 =	srdreg.scid;
	s15 =	simm.s32 $0x78  }
0x6: {  	s16 =	simm.s32 $0x100;
	s17 =	simm.s32 $0x3D00;
	s18 =	simm.s32 $0x1  }
0x7: {  	s19 =	simm.s32 $0x2;
	[smem:$0x7FF] =	sst s2;
	s4 =	sadd.s32 $0x28EC00, s7  }
0x8: {  	s8 =	sand.u32 $0x1, s3;
	s5 =	sadd.s32 $0x2A3000, s7;
	s3 =	stileid.u32  }
0x9: {  	s6 =	sadd.s32 $0x2B7400, s7;
	s7 =	sadd.s32 $0x3600, s7;
	s9 =	smul.u32 $0xA4000, s8  }
0xa: {  	_ =	strace $0x8000004A;
	s11 =	ssub.s32 $0x2, s8;
	s12 =	smul.u32 $0xA400, s3  }
0xb: {  	s14 =	smul.u32 $0x29000, s3;
	s8 =	sshll.u32 s8, $0x4;
	s20 =	sshll.u32 s3, $0x6  }
0xc: {  	s13 =	sshrl.u32 s11, $0x1;
	s30 =	sor.u32 s3, s8;
	s20 =	sor.u32 $0x1C03, s20  }
0xd: {  	s11 =	ssub.s32 s11, s13;
	s9 =	sadd.s32 s12, s9;
	s29 =	sshrl.u32 s14, $0x2  }
0xe: {  	s12 =	simm.s32 $0x7900;
	s13 =	simm.s32 $0x3;
	s14 =	simm.s32 $0x80  }
0xf: {  	s31 =	sshrl.u32 s9, $0x3;
	s8 =	sadd.s32 s29, s1;
	s9 =	smul.u32 $0xCA8, s30  }
0x10: {  	v0 =	vimm.f32 $0.0e+00;
	s11 =	smax.u32 s11, $0x1;
	s10 =	sadd.s32 s10, s31;
	s21 =	sshrl.u32 s8, $0x3  }
.LBB2_1:
0x11: {  	s22 =	simm.s32 $0x0;
	s23 =	simm.s32 $0x200  }
.LBB2_2:
0x12: {  	p0 =	sne.s32 s23, $0x28E00;
	[tilespmem:s22+$0x7970] =	vst v0  }
0x13: {  	[tilespmem:s22+$0x7900] =	vst v0  }
0x14: {  	[tilespmem:s22+$0x7910] =	vst v0  }
.Ltmp0:
0x15: {  	[tilespmem:s22+$0x7920] =	vst v0;
	(pc) =	sbr.rel @p0 .LBB2_2-.Ltmp0, $4  }
0x16: {  	[tilespmem:s22+$0x7930] =	vst v0  }
0x17: {  	[tilespmem:s22+$0x7940] =	vst v0  }
0x18: {  	[tilespmem:s22+$0x7950] =	vst v0  }
0x19: {  	[tilespmem:s22+$0x7960] =	vst v0;
	s22 =	sshra.s32 s23, $0x2;
	s23 =	sadd.s32 $0x200, s23  }
0x1a: {  	[tilespmem:s22+$0x7970] =	vst v0  }
0x1b: {  	[tilespmem:s22+$0x7900] =	vst v0  }
0x1c: {  	[tilespmem:s22+$0x7910] =	vst v0  }
0x1d: {  	[tilespmem:s22+$0x7920] =	vst v0  }
0x1e: {  	[tilespmem:s22+$0x7930] =	vst v0  }
0x1f: {  	[tilespmem:s22+$0x7940] =	vst v0  }
0x20: {  	[tilespmem:s22+$0x7950] =	vst v0  }
0x21: {  	[tilespmem:s22+$0x7960] =	vst v0  }
0x22: {  	[spmem:s8] =	stream.linear.scatter [tilespmem:s12], [sflag:$0x3], $0xA400, $0x38;
	[tilespmem:$0x1C100] =	vst v63  }
0x23: {  	_ =	swait.ge [sflag:s13], $0xA400  }
0x24: {  	[sflag:s13] =	ssyncset.done $0x0  }
0x25: {  	[sflag:s13] =	ssyncadd.s32 $0xFFFF5C00  }
0x26: {  	s22 =	simm.s32 $0x0;
	s23 =	simm.s32 $0x0;
	[bflag:$0x0] =	sbarrier.arrive $0xFFFF  }
.LBB2_4:
0x27: {  	s24 =	smul.u32 $0x78, s23;
	_ =	sdelay $0x1  }
0x28: {  	s24 =	sadd.s32 s9, s24  }
0x29: {  	s24 =	sshrl.u32 s24, $0x3  }
0x2a: {  	s25 =	sadd.s32 s6, s24  }
0x2b: {  	[tilespmem:s22], [sflag:$0x3] =	stream.linear.gather [hbm4b:s25+s22], $0x78, $0x38;
	[tilespmem:$0x1C100] =	vst v63  }
0x2c: {  	_ =	swait.ge [sflag:s13], $0x78  }
0x2d: {  	[sflag:s13] =	ssyncset.done $0x0  }
0x2e: {  	s24 =	sadd.s32 s7, s24;
	[sflag:s13] =	ssyncadd.s32 $0xFFFFFF88  }
0x2f: {  	[tilespmem:s14], [sflag:$0x3] =	stream.linear.gather [hbm4b:s24+s22], $0x78, $0x38;
	[tilespmem:$0x1C100] =	vst v63  }
0x30: {  	_ =	swait.ge [sflag:s13], $0x78  }
0x31: {  	[sflag:s13] =	ssyncset.done $0x0  }
0x32: {  	[sflag:s13] =	ssyncadd.s32 $0xFFFFFF88  }
0x33: {  	[tilespmem:s16], [sflag:$0x1] =	stream.indirect.gather [hbm4b:s4+s15], $0x80, s22, s15, $0xb8;
	[tilespmem:$0x1C100] =	vst v63  }
0x34: {  	_ = 	snop  }
0x35: {  	[tilespmem:s17], [sflag:$0x2] =	stream.indirect.gather [hbm4b:s5+s15], $0x80, s14, s15, $0xb8;
	[tilespmem:$0x1C100] =	vst v63  }
0x36: {  	_ =	swait.ge [sflag:s18], $0x3C00  }
0x37: {  	[sflag:s18] =	ssyncset.done $0x0  }
0x38: {  	[sflag:s18] =	ssyncadd.s32 $0xFFFFC400  }
0x39: {  	_ =	swait.ge [sflag:s19], $0x3C00  }
0x3a: {  	[sflag:s19] =	ssyncset.done $0x0  }
0x3b: {  	s24 =	simm.s32 $0x0;
	[sflag:s19] =	ssyncadd.s32 $0xFFFFC400  }
0x3c: {  	v7 =	vld [tilespmem:s24+$0x3D00]  }
0x3d: {  	v12 =	vld [tilespmem:s24+$0x3D10]  }
0x3e: {  	v6 =	vld [tilespmem:s24+$0x3D20]  }
0x3f: {  	v5 =	vld [tilespmem:s24+$0x3D30]  }
0x40: {  	v4 =	vld [tilespmem:s24+$0x3D40]  }
0x41: {  	v3 =	vld [tilespmem:s24+$0x3D50]  }
0x42: {  	v2 =	vld [tilespmem:s24+$0x3D60]  }
0x43: {  	v1 =	vld [tilespmem:s24+$0x3D70]  }
0x44: {  	v13 =	vld [tilespmem:s24+$0x100]  }
0x45: {  	v14 =	vld [tilespmem:s24+$0x110]  }
0x46: {  	v11 =	vld [tilespmem:s24+$0x120]  }
0x47: {  	v10 =	vld [tilespmem:s24+$0x130]  }
0x48: {  	v9 =	vld [tilespmem:s24+$0x140]  }
0x49: {  	v8 =	vld [tilespmem:s24+$0x150];
	v13 =	vadd.f32 v7, v13  }
0x4a: {  	s25 =	simm.s32 $0x200;
	v12 =	vadd.f32 v12, v14;
	v7 =	vld [tilespmem:s24+$0x160]  }
.LBB2_5:
0x4b: {  	s26 =	sshra.s32 s25, $0x2;
	p0 =	sne.s32 s25, $0xEE00;
	v13 =	vmax.f32 v13, $0.0e+00;
	v6 =	vadd.f32 v6, v11;
	v11 =	vld [tilespmem:s24+$0x170]  }
0x4c: {  	v14 =	vld [tilespmem:s26+$0x3D00];
	[tilespmem:s24+$0x100] =	vst v13;
	v12 =	vmax.f32 v12, $0.0e+00;
	v5 =	vadd.f32 v5, v10  }
0x4d: {  	v15 =	vld [tilespmem:s26+$0x3D10];
	[tilespmem:s24+$0x110] =	vst v12;
	v10 =	vmax.f32 v6, $0.0e+00;
	v4 =	vadd.f32 v4, v9  }
0x4e: {  	v6 =	vld [tilespmem:s26+$0x3D20];
	[tilespmem:s24+$0x120] =	vst v10;
	v9 =	vmax.f32 v5, $0.0e+00;
	v3 =	vadd.f32 v3, v8  }
0x4f: {  	v5 =	vld [tilespmem:s26+$0x3D30];
	[tilespmem:s24+$0x130] =	vst v9;
	v8 =	vmax.f32 v4, $0.0e+00;
	v2 =	vadd.f32 v2, v7  }
0x50: {  	v4 =	vld [tilespmem:s26+$0x3D40];
	[tilespmem:s24+$0x140] =	vst v8;
	v7 =	vmax.f32 v3, $0.0e+00;
	v1 =	vadd.f32 v1, v11  }
0x51: {  	v3 =	vld [tilespmem:s26+$0x3D50];
	[tilespmem:s24+$0x150] =	vst v7;
	v7 =	vmax.f32 v2, $0.0e+00  }
0x52: {  	v2 =	vld [tilespmem:s26+$0x3D60];
	[tilespmem:s24+$0x160] =	vst v7;
	v7 =	vmax.f32 v1, $0.0e+00  }
0x53: {  	v1 =	vld [tilespmem:s26+$0x3D70];
	[tilespmem:s24+$0x170] =	vst v7;
	s24 =	smov.u32 s26  }
0x54: {  	v7 =	vld [tilespmem:s24+$0x100]  }
0x55: {  	v12 =	vld [tilespmem:s24+$0x110]  }
.Ltmp1:
0x56: {  	v11 =	vld [tilespmem:s24+$0x120];
	(pc) =	sbr.rel @p0 .LBB2_5-.Ltmp1, $4  }
0x57: {  	v10 =	vld [tilespmem:s24+$0x130]  }
0x58: {  	v9 =	vld [tilespmem:s24+$0x140]  }
0x59: {  	v13 =	vadd.f32 v14, v7;
	v8 =	vld [tilespmem:s24+$0x150]  }
0x5a: {  	s25 =	sadd.s32 $0x200, s25;
	v12 =	vadd.f32 v15, v12;
	v7 =	vld [tilespmem:s24+$0x160]  }
0x5b: {  	v13 =	vmax.f32 v13, $0.0e+00;
	v6 =	vadd.f32 v6, v11;
	v63 =	vld [tilespmem:s24+$0x170]  }
0x5c: {  	[tilespmem:s24+$0x100] =	vst v13;
	v12 =	vmax.f32 v12, $0.0e+00;
	v5 =	vadd.f32 v5, v10  }
0x5d: {  	[tilespmem:s24+$0x110] =	vst v12;
	v6 =	vmax.f32 v6, $0.0e+00;
	v4 =	vadd.f32 v4, v9  }
0x5e: {  	[tilespmem:s24+$0x120] =	vst v6;
	v5 =	vmax.f32 v5, $0.0e+00;
	v3 =	vadd.f32 v3, v8  }
0x5f: {  	[tilespmem:s24+$0x130] =	vst v5;
	v4 =	vmax.f32 v4, $0.0e+00;
	v2 =	vadd.f32 v2, v7  }
0x60: {  	[tilespmem:s24+$0x140] =	vst v4;
	v3 =	vmax.f32 v3, $0.0e+00;
	v1 =	vadd.f32 v1, v63  }
0x61: {  	s23 =	sadd.s32 $0x1, s23;
	[tilespmem:s24+$0x150] =	vst v3;
	v2 =	vmax.f32 v2, $0.0e+00  }
0x62: {  	p0 =	sne.s32 s23, $0x1B;
	[tilespmem:s24+$0x160] =	vst v2;
	v1 =	vmax.f32 v1, $0.0e+00  }
.Ltmp2:
0x63: {  	[tilespmem:s24+$0x170] =	vst v1;
	(pc) =	sbr.rel @p0 .LBB2_4-.Ltmp2, $4  }
0x64: {  	[spmem:s1] =	stream.indirect.scatter.add.f32 [tilespmem:s16], [sflag:$0x3], $0x80, s14, s15, $0xb8;
	[tilespmem:$0x1C100] =	vst v63  }
0x65: {  	_ =	swait.ge [sflag:s13], $0x3C00  }
0x66: {  	[sflag:s13] =	ssyncset.done $0x0  }
0x67: {  	[sflag:s13] =	ssyncadd.s32 $0xFFFFC400  }
0x68: {  	s2 =	sadd.s32 $0x1, s2  }
0x69: {  	p0 =	sne.s32 s2, s11  }
.Ltmp3:
0x6a: {  	[bflag:$0x0] =	sbarrier.arrive $0xFFFF;
	(pc) =	sbr.rel @p0 .LBB2_1-.Ltmp3, $4  }
0x6b: {  	[hbm:s10], [sflag:s20] =	dma.local [spmem:s21], $0x1480  }
0x6c: {  	_ =	swait.ge [sflag:s13], $0x1480  }
0x6d: {  	[sflag:s13] =	ssyncset.done $0x0  }
0x6e: {  	[sflag:s13] =	ssyncadd.s32 $0xFFFFEB80  }
0x6f: {  	_ =	sfence.sel $0x180000  }
0x70: {  	[bflag:$0x0] =	sbarrier.arrive $0xFFFF  }
0x71: {  	p0 =	sne.s32 s3, $0x0;
	_ =	strace $0x9000004A  }
0x72: {  	s0 =	sadd.s32 @!p0 $0x100000, s0;
	[bflag:$0x2] =	sbarrier.arrive $0xFFFF  }
0x73: {  	[sflag:s0] =	ssyncadd.tile.s32 @!p0 $0x1;
	_ =	shalt  }
.Lfunc_end2:
_tile_overlayer_lowered:
.L_overlay_start_2:
0x74: {  	(tag) =	ssettag $0x2  }
0x75: {  	s0 =	rddreg [dreg:$0x0];
	s2 =	stileid.u32  }
0x76: {  	s1 =	rddreg [dreg:$0x1];
	p0 =	sne.s32 s2, $0x0  }
0x77: {  	s3 =	rddreg [dreg:$0x2];
	[bflag:$0x3] =	sbarrier.arrive $0xFFFF;
	s2 =	simm.s32 @!p0 $0x1C03  }
0x78: {  	[timem:s3], [sflag:s2] =	dma.local @!p0 [hbm:s0], s1  }
0x79: {  	s0 =	simm.s32 @!p0 $0x3  }
0x7a: {  	_ =	swait.ge @!p0 [sflag:s0], s1  }
0x7b: {  	s1 =	ssub.s32 @!p0 $0x0, s1;
	[sflag:s0] =	ssyncset.done @!p0 $0x0  }
0x7c: {  	[sflag:s0] =	ssyncadd.s32 @!p0 s1  }
0x7d: {  	[bflag:$0x3] =	sbarrier.arrive $0xFFFF  }
0x7e: {  	_ =	shalt  }

// kernel: kernel.6.cloned.1.call-start
scs
__scs_entry_jumppad:
0x0: {  	(pc) =	sbr.rel $0x88, $3  }
0x1: {  	(tag) =	ssettag $0x0;
	lr =	simm.s32 $0x1  }
0x2: {  	[smem:$0x3F8E] =	sst lr;
	_ =	strace $0xD0000000  }
0x3: {  	_ = 	snop  }
0x4: {  	_ = 	snop  }
0x5: {  	_ = 	snop  }
0x6: {  	_ = 	snop  }
0x7: {  	_ = 	snop  }
__scs_overlays_trampoline_lowered:
0x8: {  	[smem:$0x3F9D] =	sst s0  }
0x9: {  	[smem:$0x3F9E] =	sst s1  }
0xa: {  	[smem:$0x3F9F] =	sst s2  }
0xb: {  	[smem:$0x3FA0] =	sst s3  }
0xc: {  	[smem:$0x3FA1] =	sst s4  }
0xd: {  	[smem:$0x3FA2] =	sst s5  }
0xe: {  	[smem:$0x3FA3] =	sst s6  }
0xf: {  	[smem:$0x3FA4] =	sst s7  }
0x10: {  	[smem:$0x3FA5] =	sst s8  }
0x11: {  	[smem:$0x3FA6] =	sst s9;
	s0 =	simm.s32 @!p0 $0x0  }
0x12: {  	s1 =	sld [smem:$0x3F8C];
	s0 =	simm.s32 @p0 $0x1  }
0x13: {  	[smem:$0x3FA7] =	sst s0;
	s0 =	simm.s32 @!p1 $0x0  }
0x14: {  	s2 =	sld [smem:$0x3F8B];
	s0 =	simm.s32 @p1 $0x1  }
0x15: {  	[smem:$0x3FA8] =	sst s0;
	s0 =	simm.s32 @!p2 $0x0  }
0x16: {  	s3 =	sld [smem:$0x3FDB];
	s0 =	simm.s32 @p2 $0x1  }
0x17: {  	s4 =	simm.s32 $0x1BF5;
	[smem:$0x3FAA] =	sst s0  }
0x18: {  	s0 =	sld [smem:$0x3F8D];
	_ =	swait.ge [sflag:s4], $0x0  }
0x19: {  	s7 =	sld [smem:$0x3F8E]  }
0x1a: {  	s8 =	sadd.s32 $0xFFFFE003, lr  }
0x1b: {  	s9 =	sadd.s32 $0xFFFFFEF7, lr;
	s5 =	simm.s32 $0xFFFFFFFF;
	p2 =	slt.u32 s8, $0xFFFFF086  }
0x1c: {  	p1 =	slt.u32 s9, $0xF7A;
	s5 =	simm.s32 @!p2 $0x0  }
0x1d: {  	s5 =	simm.s32 @p1 $0x1;
	p0 =	seq.s32 s7, s2  }
0x1e: {  	s7 =	smul.u32 @!p0 $0xF7A, s2;
	p2 =	seq.s32 @!p0 s5, $0x0  }
0x1f: {  	s9 =	smul.u32 $0xF7A, s1;
	s8 =	simm.s32 @!p0 $0x1BF5;
	p2 =	por !p2, p0  }
0x20: {  	[sflag:s8] =	ssyncset.s32 @!p0 $0xFFFFF086;
	s6 =	sadd.s32 @!p0 s3, s7;
	s7 =	simm.s32 @!p0 $0x108  }
0x21: {  	s3 =	sadd.s32 s3, s9;
	s6 =	sadd.s32 @!p0 $0x88, s6;
	s7 =	simm.s32 @p2 $0x1082  }
0x22: {  	[simem:s7], [sflag:s8] =	dma.local @!p0 [hbm:s6], $0xF7A  }
0x23: {  	s9 =	sor.u32 $0xD0000000, s2;
	s6 =	simm.s32 $0x108;
	_ =	swait.ge @!p0 [sflag:s8], $0x0  }
0x24: {  	s3 =	sadd.s32 $0x88, s3;
	s6 =	simm.s32 @!p1 $0x1082;
	[sflag:s4] =	ssyncset.s32 $0xFFFFF086  }
0x25: {  	[simem:s6], [sflag:s4] =	dma.local [hbm:s3], $0xF7A  }
0x26: {  	[smem:$0x3F8E] =	sst s1;
	(tag) =	ssettag s2;
	_ =	strace s9  }
0x27: {  	s1 =	sld [smem:$0x3F9E]  }
0x28: {  	s2 =	sld [smem:$0x3F9F]  }
0x29: {  	s4 =	sld [smem:$0x3FA1]  }
0x2a: {  	p0 =	seq.s32 s5, $0x0;
	s5 =	sld [smem:$0x3FA2]  }
0x2b: {  	s6 =	sld [smem:$0x3FA3]  }
0x2c: {  	s7 =	sld [smem:$0x3FA4]  }
0x2d: {  	s3 =	simm.s32 $0x108;
	s8 =	sld [smem:$0x3FA5]  }
0x2e: {  	s3 =	simm.s32 @!p0 $0x1082;
	s9 =	sld [smem:$0x3FA6]  }
0x2f: {  	lr =	sadd.s32 s0, s3;
	s0 =	sld [smem:$0x3F9D]  }
0x30: {  	s3 =	sld [smem:$0x3FA0]  }
0x31: {  	[smem:$0x3FA9] =	sst s10  }
0x32: {  	s10 =	sld [smem:$0x3FA7];
	_ =	sdelay $0x3  }
0x33: {  	p0 =	seq.s32 s10, $0x1;
	s10 =	sld [smem:$0x3FA9];
	_ =	sdelay $0x3  }
0x34: {  	[smem:$0x3FA9] =	sst s10  }
0x35: {  	s10 =	sld [smem:$0x3FA8];
	_ =	sdelay $0x3  }
0x36: {  	p1 =	seq.s32 s10, $0x1;
	s10 =	sld [smem:$0x3FA9];
	_ =	sdelay $0x3  }
0x37: {  	[smem:$0x3FA9] =	sst s10  }
0x38: {  	s10 =	sld [smem:$0x3FAA]  }
0x39: {  	_ = 	snop;
	(pc) =	sbr.ind lr, $3  }
0x3a: {  	_ = 	snop  }
0x3b: {  	_ = 	snop  }
0x3c: {  	p2 =	seq.s32 s10, $0x1;
	s10 =	sld [smem:$0x3FA9]  }
0x3d: {  	_ =	shalt  }
0x3e: {  	_ =	shalt  }
0x3f: {  	_ =	shalt  }
0x40: {  	_ =	shalt  }
0x41: {  	_ =	shalt  }
0x42: {  	_ =	shalt  }
0x43: {  	_ =	shalt  }
0x44: {  	_ =	shalt  }
0x45: {  	_ =	shalt  }
0x46: {  	_ =	shalt  }
0x47: {  	_ =	shalt  }
0x48: {  	_ =	shalt  }
0x49: {  	_ =	shalt  }
0x4a: {  	_ =	shalt  }
0x4b: {  	_ =	shalt  }
0x4c: {  	_ =	shalt  }
0x4d: {  	_ =	shalt  }
0x4e: {  	_ =	shalt  }
0x4f: {  	_ =	shalt  }
0x50: {  	_ =	shalt  }
0x51: {  	_ =	shalt  }
0x52: {  	_ =	shalt  }
0x53: {  	_ =	shalt  }
0x54: {  	_ =	shalt  }
0x55: {  	_ =	shalt  }
0x56: {  	_ =	shalt  }
0x57: {  	_ =	shalt  }
0x58: {  	_ =	shalt  }
0x59: {  	_ =	shalt  }
0x5a: {  	_ =	shalt  }
0x5b: {  	_ =	shalt  }
0x5c: {  	_ =	shalt  }
0x5d: {  	_ =	shalt  }
0x5e: {  	_ =	shalt  }
0x5f: {  	_ =	shalt  }
0x60: {  	_ =	shalt  }
0x61: {  	_ =	shalt  }
0x62: {  	_ =	shalt  }
0x63: {  	_ =	shalt  }
0x64: {  	_ =	shalt  }
0x65: {  	_ =	shalt  }
0x66: {  	_ =	shalt  }
0x67: {  	_ =	shalt  }
0x68: {  	_ =	shalt  }
0x69: {  	_ =	shalt  }
0x6a: {  	_ =	shalt  }
0x6b: {  	_ =	shalt  }
0x6c: {  	_ =	shalt  }
0x6d: {  	_ =	shalt  }
0x6e: {  	_ =	shalt  }
0x6f: {  	_ =	shalt  }
0x70: {  	_ =	shalt  }
0x71: {  	_ =	shalt  }
0x72: {  	_ =	shalt  }
0x73: {  	_ =	shalt  }
0x74: {  	_ =	shalt  }
0x75: {  	_ =	shalt  }
0x76: {  	_ =	shalt  }
0x77: {  	_ =	shalt  }
0x78: {  	_ =	shalt  }
0x79: {  	_ =	shalt  }
0x7a: {  	_ =	shalt  }
0x7b: {  	_ =	shalt  }
0x7c: {  	_ =	shalt  }
0x7d: {  	_ =	shalt  }
0x7e: {  	_ =	shalt  }
0x7f: {  	_ =	shalt  }
0x80: {  	_ =	shalt  }
0x81: {  	_ =	shalt  }
0x82: {  	_ =	shalt  }
0x83: {  	_ =	shalt  }
0x84: {  	_ =	shalt  }
0x85: {  	_ =	shalt  }
0x86: {  	_ =	shalt  }
0x87: {  	_ =	shalt  }
.Lfunc_end0:
.L_simem_size_0:
called_computation.1_lowered:
.L_overlay_start_0:
0x88: {  	s2 =	sld [smem:$0x3FD9]  }
0x89: {  	s3 =	sld [smem:$0x3FFE];
	_ =	sdelay $0x1  }
0x8a: {  	s1 =	srdreg.scid  }
0x8b: {  	s0 =	sand.u32 $0x1, s1  }
0x8c: {  	s17 =	sshll.u32 s0, $0xA;
	s2 =	sadd.s32 s3, s2  }
0x8d: {  	s2 =	sadd.s32 s2, s17  }
0x8e: {  	[smem:$0x3FB5] =	sst s2  }
0x8f: {  	_ = 	snop  }
0x90: {  	s2 =	sld [smem:$0x3FD0];
	(tm) =	ssettm $0x1  }
0x91: {  	s18 =	sld [smem:$0x3FFB];
	_ =	sdelay $0x3  }
0x92: {  	_ =	strace s18  }
0x93: {  	s3 =	sld [smem:$0x3FFC];
	_ =	sdelay $0x3  }
0x94: {  	_ =	strace s3  }
0x95: {  	s3 =	sld [smem:$0x3FFD];
	_ =	sdelay $0x3  }
0x96: {  	_ =	strace s3  }
0x97: {  	_ =	strace $0x8FFFFFFF  }
0x98: {  	s19 =	sld [smem:$0x3FDB];
	_ =	sdelay $0x1  }
0x99: {  	s4 =	simm.s32 $_scs_section_size  }
0x9a: {  	s5 =	simm.s32 $_size__tile_overlayer_lowered;
	s6 =	simm.s32 $_tile_overlayer_lowered  }
0x9b: {  	s22 =	simm.s32 $0x1BFF;
	s21 =	sshll.u32 s6, $0x1;
	s3 =	sadd.s32 s4, s19  }
0x9c: {  	s7 =	simm.s32 $0x0;
	s20 =	sshll.u32 s5, $0x1;
	s5 =	sadd.s32 s21, s3  }
0x9d: {  	[timem:s7], [sflag:s22] =	dma.local [hbm:s5], s20  }
0x9e: {  	_ =	swait.ge [sflag:s22], s20  }
0x9f: {  	s4 =	ssub.s32 $0x0, s20;
	[sflag:s22] =	ssyncset.done $0x0  }
0xa0: {  	[sflag:s22] =	ssyncadd.s32 s4;
	_ =	sdelay $0x1  }
0xa1: {  	s23 =	simm.s32 $0x1B8B  }
0xa2: {  	_ =	swait.ge [sflag:s23], $0x1  }
0xa3: {  	[sflag:s23] =	ssyncset.done $0x0  }
0xa4: {  	s25 =	simm.s32 $0x1B8E;
	s24 =	sld [smem:$0x3FFE];
	[sflag:s23] =	ssyncadd.s32 $0xFFFFFFFF  }
0xa5: {  	s26 =	simm.s32 $execute0_lowered;
	[smem:$0x3FD2] =	sst s25  }
0xa6: {  	s5 =	sshll.u32 s26, $0x1;
	_ =	strace $0x80000046;
	[dreg:$0x1] =	wrdreg $0xFFFFFFFF  }
0xa7: {  	s28 =	simm.s32 $_size_execute0_lowered;
	s3 =	sadd.s32 s3, s5;
	[dreg:$0x0] =	wrdreg $0x0  }
0xa8: {  	s5 =	sshll.u32 s28, $0x1;
	[dreg:$0x2] =	wrdreg s3  }
0xa9: {  	[dreg:$0x3] =	wrdreg s5  }
0xaa: {  	[dreg:$0x4] =	wrdreg $0xC0  }
0xab: {  	_ =	task [dreg:s7], $0x5FFFF  }
0xac: {  	[dreg:$0x1] =	wrdreg $0xFFFFFFFF  }
0xad: {  	[dreg:$0x0] =	wrdreg $0x60  }
0xae: {  	[dreg:$0x2] =	wrdreg s24  }
0xaf: {  	[dreg:$0x3] =	wrdreg s2  }
0xb0: {  	[dreg:$0x4] =	wrdreg $0xE0800  }
0xb1: {  	[dreg:$0x5] =	wrdreg $0x9  }
0xb2: {  	_ =	task.clear_ibuf [dreg:s7], $0x6FFFF;
	_ =	strace $0x90000046  }
0xb3: {  	s29 =	simm.s32 $0x9;
	_ =	strace $0x80000048  }
0xb4: {  	_ =	swait.ge [sflag:s29], $0x1  }
0xb5: {  	[sflag:s29] =	ssyncadd.s32 $0xFFFFFFFF  }
0xb6: {  	_ =	strace $0x90000048  }
0xb7: {  	_ =	sfence  }
0xb8: {  	s30 =	sld [smem:$0x0];
	_ =	sdelay $0x2  }
0xb9: {  	s31 =	sshll.u32 s1, $0xD;
	s1 =	sshrl.u32 s1, $0x2  }
0xba: {  	s3 =	sand.u32 $0x4000, s31;
	s1 =	sadd.s32 s1, s30  }
0xbb: {  	s0 =	sor.u32 s3, s0;
	s1 =	sshll.u32 s1, $0x11  }
0xbc: {  	s0 =	sor.u32 s1, s0  }
0xbd: {  	s0 =	sadd.s32 $0x8F2B, s0  }
0xbe: {  	[sflag:s0] =	ssyncadd.remote.s32 $0x1  }
0xbf: {  	_ =	sfence.sel $0xFFFF  }
0xc0: {  	[dreg:$0x0] =	wrdreg $0xFFFFFFFF;
	(pc) =	sbr.abs _section_cstart, $3  }
0xc1: {  	[dreg:$0x1] =	wrdreg $0xFFFFFFFF  }
0xc2: {  	_ =	task.clear_ibuf [dreg:s7], $0x2FFFF;
	_ =	strace $0x9FFFFFFF  }
0xc3: {  	(tm) =	ssettm $0x7FFFFFFF  }
tec
execute0_lowered:
.L_overlay_start_1:
0x0: {  	(tag) =	ssettag $0x1  }
0x1: {  	s4 =	rddreg [dreg:$0x0]  }
0x2: {  	s5 =	rddreg [dreg:$0x1]  }
0x3: {  	s0 =	srdreg.scid;
	s1 =	stileid.u32  }
0x4: {  	s2 =	rddreg [dreg:$0x2];
	s8 =	smul.u32 $0xCA8, s1  }
0x5: {  	s3 =	simm.s32 $0x0;
	s11 =	simm.s32 $0x80;
	s29 =	smul.u32 $0xA400, s1  }
0x6: {  	s6 =	sand.u32 $0x1, s0;
	s0 =	rddreg [dreg:$0x3];
	s10 =	smul.u32 $0x29000, s1  }
0x7: {  	s14 =	simm.s32 $0x0;
	[smem:$0x7FF] =	sst s3;
	s7 =	smul.u32 $0xCA80, s6  }
0x8: {  	s12 =	sshll.u32 s1, $0x6;
	s9 =	smul.u32 $0xA4000, s6;
	s6 =	ssub.s32 $0x2, s6  }
0x9: {  	_ =	strace $0x80000047;
	s12 =	sor.u32 $0x1C01, s12;
	s30 =	sshrl.u32 s6, $0x1  }
0xa: {  	s31 =	sshrl.u32 s10, $0x2;
	s10 =	simm.s32 $0x78;
	s7 =	sadd.s32 s8, s7  }
0xb: {  	s8 =	sadd.s32 s29, s9;
	s6 =	ssub.s32 s6, s30;
	s9 =	simm.s32 $0x1  }
0xc: {  	s7 =	sshrl.u32 s7, $0x3;
	s8 =	sshrl.u32 s8, $0x3;
	s6 =	smax.u32 s6, $0x1  }
0xd: {  	v0 =	vimm.f32 $0.0e+00;
	vm0 =	vcmask $0x300;
	s7 =	sadd.s32 s7, s4;
	s4 =	sadd.s32 s31, s2;
	s5 =	sadd.s32 s5, s8  }
0xe: {  	v1 =	vsel vm0, $0x3F800000, v0;
	s8 =	simm.s32 $0x3C80;
	s7 =	sadd.s32 $0x3600, s7;
	s13 =	sshrl.u32 s4, $0x3  }
.LBB2_1:
0xf: {  	s15 =	simm.s32 $0x0;
	s16 =	simm.s32 $0x200  }
.LBB2_2:
0x10: {  	p0 =	sne.s32 s16, $0x28E00;
	[tilespmem:s15+$0x3CF0] =	vst v0  }
0x11: {  	[tilespmem:s15+$0x3C80] =	vst v0  }
0x12: {  	[tilespmem:s15+$0x3C90] =	vst v0  }
.Ltmp0:
0x13: {  	[tilespmem:s15+$0x3CA0] =	vst v0;
	(pc) =	sbr.rel @p0 .LBB2_2-.Ltmp0, $4  }
0x14: {  	[tilespmem:s15+$0x3CB0] =	vst v0  }
0x15: {  	[tilespmem:s15+$0x3CC0] =	vst v0  }
0x16: {  	[tilespmem:s15+$0x3CD0] =	vst v0  }
0x17: {  	[tilespmem:s15+$0x3CE0] =	vst v0;
	s15 =	sshra.s32 s16, $0x2;
	s16 =	sadd.s32 $0x200, s16  }
0x18: {  	[tilespmem:s15+$0x3CF0] =	vst v0  }
0x19: {  	[tilespmem:s15+$0x3C80] =	vst v0  }
0x1a: {  	[tilespmem:s15+$0x3C90] =	vst v0  }
0x1b: {  	[tilespmem:s15+$0x3CA0] =	vst v0  }
0x1c: {  	[tilespmem:s15+$0x3CB0] =	vst v0  }
0x1d: {  	[tilespmem:s15+$0x3CC0] =	vst v0  }
0x1e: {  	[tilespmem:s15+$0x3CD0] =	vst v0  }
0x1f: {  	[tilespmem:s15+$0x3CE0] =	vst v0;
	s15 =	simm.s32 $0x0;
	s16 =	simm.s32 $0x200  }
.LBB2_4:
0x20: {  	p0 =	sne.s32 s16, $0xEE00;
	[tilespmem:s15+$0xF0] =	vst v0  }
0x21: {  	[tilespmem:s15+$0x80] =	vst v0  }
0x22: {  	[tilespmem:s15+$0x90] =	vst v0  }
.Ltmp1:
0x23: {  	[tilespmem:s15+$0xA0] =	vst v0;
	(pc) =	sbr.rel @p0 .LBB2_4-.Ltmp1, $4  }
0x24: {  	[tilespmem:s15+$0xB0] =	vst v0  }
0x25: {  	[tilespmem:s15+$0xC0] =	vst v0  }
0x26: {  	[tilespmem:s15+$0xD0] =	vst v0  }
0x27: {  	[tilespmem:s15+$0xE0] =	vst v0;
	s15 =	sshra.s32 s16, $0x2;
	s16 =	sadd.s32 $0x200, s16  }
0x28: {  	[tilespmem:s15+$0xF0] =	vst v0  }
0x29: {  	[tilespmem:s15+$0x80] =	vst v0  }
0x2a: {  	[tilespmem:s15+$0x90] =	vst v0  }
0x2b: {  	[tilespmem:s15+$0xA0] =	vst v0  }
0x2c: {  	[tilespmem:s15+$0xB0] =	vst v0  }
0x2d: {  	[tilespmem:s15+$0xC0] =	vst v0  }
0x2e: {  	[tilespmem:s15+$0xD0] =	vst v0  }
0x2f: {  	[tilespmem:s15+$0xE0] =	vst v0;
	s15 =	simm.s32 $0x200;
	s16 =	simm.s32 $0x0  }
.LBB2_6:
0x30: {  	p0 =	sne.s32 s15, $0xEE00;
	[tilespmem:s16+$0x80] =	vst v1;
	s16 =	smov.u32 s15;
	s15 =	sadd.s32 $0x200, s15  }
.Ltmp2:
0x31: {  	(pc) =	sbr.rel @p0 .LBB2_6-.Ltmp2, $2  }
0x32: {  	_ =	sdelay $0x2  }
0x33: {  	s16 =	sshra.s32 s16, $0x2  }
0x34: {  	[tilespmem:s16+$0x80] =	vst v1  }
0x35: {  	[spmem:s4] =	stream.linear.scatter [tilespmem:s8], [sflag:$0x1], $0xA400, $0x38;
	[tilespmem:$0x18480] =	vst v63  }
0x36: {  	_ =	swait.ge [sflag:s9], $0xA400  }
0x37: {  	[sflag:s9] =	ssyncset.done $0x0  }
0x38: {  	[sflag:s9] =	ssyncadd.s32 $0xFFFF5C00  }
0x39: {  	s15 =	sadd.s32 $0x0, s7;
	[bflag:$0x0] =	sbarrier.arrive $0xFFFF  }
0x3a: {  	[tilespmem:s3], [sflag:$0x1] =	stream.linear.gather [hbm4b:s15+s3], $0x78, $0x38;
	[tilespmem:$0x18480] =	vst v63  }
0x3b: {  	_ =	swait.ge [sflag:s9], $0x78  }
0x3c: {  	[sflag:s9] =	ssyncset.done $0x0  }
0x3d: {  	[sflag:s9] =	ssyncadd.s32 $0xFFFFFF88  }
0x3e: {  	[spmem:s2] =	stream.indirect.scatter.add.f32 [tilespmem:s11], [sflag:$0x1], $0x80, s3, s10, $0xb8;
	[tilespmem:$0x18480] =	vst v63  }
0x3f: {  	_ =	swait.ge [sflag:s9], $0x3C00  }
0x40: {  	s16 =	simm.s32 $0x1E;
	s15 =	simm.s32 $0xF;
	[sflag:s9] =	ssyncset.done $0x0  }
.LBB2_8:
0x41: {  	s17 =	sadd.s32 s15, s7  }
0x42: {  	[sflag:s9] =	ssyncadd.s32 $0xFFFFC400;
	s15 =	smov.u32 s16;
	s18 =	sadd.s32 $0xF, s16  }
0x43: {  	[tilespmem:s3], [sflag:$0x1] =	stream.linear.gather [hbm4b:s17+s3], $0x78, $0x38;
	[tilespmem:$0x18480] =	vst v63  }
0x44: {  	p0 =	sne.s32 s16, $0x186;
	_ =	swait.ge [sflag:s9], $0x78  }
.Ltmp3:
0x45: {  	[sflag:s9] =	ssyncset.done $0x0;
	(pc) =	sbr.rel @p0 .LBB2_8-.Ltmp3, $4  }
0x46: {  	[sflag:s9] =	ssyncadd.s32 $0xFFFFFF88  }
0x47: {  	[spmem:s2] =	stream.indirect.scatter.add.f32 [tilespmem:s11], [sflag:$0x1], $0x80, s3, s10, $0xb8;
	[tilespmem:$0x18480] =	vst v63  }
0x48: {  	_ =	swait.ge [sflag:s9], $0x3C00  }
0x49: {  	s16 =	smov.u32 s18;
	[sflag:s9] =	ssyncset.done $0x0  }
0x4a: {  	s15 =	sadd.s32 s15, s7;
	[sflag:s9] =	ssyncadd.s32 $0xFFFFC400  }
0x4b: {  	[tilespmem:s3], [sflag:$0x1] =	stream.linear.gather [hbm4b:s15+s3], $0x78, $0x38;
	[tilespmem:$0x18480] =	vst v63  }
0x4c: {  	_ =	swait.ge [sflag:s9], $0x78  }
0x4d: {  	[sflag:s9] =	ssyncset.done $0x0  }
0x4e: {  	[sflag:s9] =	ssyncadd.s32 $0xFFFFFF88  }
0x4f: {  	[spmem:s2] =	stream.indirect.scatter.add.f32 [tilespmem:s11], [sflag:$0x1], $0x80, s3, s10, $0xb8;
	[tilespmem:$0x18480] =	vst v63  }
0x50: {  	_ =	swait.ge [sflag:s9], $0x3C00  }
0x51: {  	s14 =	sadd.s32 $0x1, s14;
	[sflag:s9] =	ssyncset.done $0x0  }
0x52: {  	p0 =	sne.s32 s14, s6;
	[sflag:s9] =	ssyncadd.s32 $0xFFFFC400  }
.Ltmp4:
0x53: {  	[bflag:$0x0] =	sbarrier.arrive $0xFFFF;
	(pc) =	sbr.rel @p0 .LBB2_1-.Ltmp4, $4  }
0x54: {  	[hbm:s5], [sflag:s12] =	dma.local [spmem:s13], $0x1480  }
0x55: {  	_ =	swait.ge [sflag:s9], $0x1480  }
0x56: {  	[sflag:s9] =	ssyncset.done $0x0  }
0x57: {  	[sflag:s9] =	ssyncadd.s32 $0xFFFFEB80  }
0x58: {  	_ =	sfence.sel $0x180000  }
0x59: {  	[bflag:$0x0] =	sbarrier.arrive $0xFFFF  }
0x5a: {  	p0 =	sne.s32 s1, $0x0;
	_ =	strace $0x90000047  }
0x5b: {  	s0 =	sadd.s32 @!p0 $0x100000, s0;
	[bflag:$0x2] =	sbarrier.arrive $0xFFFF  }
0x5c: {  	[sflag:s0] =	ssyncadd.tile.s32 @!p0 $0x1;
	_ =	shalt  }
.Lfunc_end2:
_tile_overlayer_lowered:
.L_overlay_start_2:
0x5d: {  	(tag) =	ssettag $0x2  }
0x5e: {  	s0 =	rddreg [dreg:$0x0];
	s2 =	stileid.u32  }
0x5f: {  	s1 =	rddreg [dreg:$0x1];
	p0 =	sne.s32 s2, $0x0  }
0x60: {  	s3 =	rddreg [dreg:$0x2];
	[bflag:$0x3] =	sbarrier.arrive $0xFFFF;
	s2 =	simm.s32 @!p0 $0x1C01  }
0x61: {  	[timem:s3], [sflag:s2] =	dma.local @!p0 [hbm:s0], s1  }
0x62: {  	s0 =	simm.s32 @!p0 $0x1  }
0x63: {  	_ =	swait.ge @!p0 [sflag:s0], s1  }
0x64: {  	s1 =	ssub.s32 @!p0 $0x0, s1;
	[sflag:s0] =	ssyncset.done @!p0 $0x0  }
0x65: {  	[sflag:s0] =	ssyncadd.s32 @!p0 s1  }
0x66: {  	[bflag:$0x3] =	sbarrier.arrive $0xFFFF  }
0x67: {  	_ =	shalt  }

</sc_bundles>
